<compile_context>
chip_gen: v7x
topology: tpu7x:2x2x1
jax: 0.10.2.dev20260603
libtpu: 0.0.44.dev20260713+nightly
codegen_flags: <defaults>
</compile_context>

<pallas_src>
import functools

import jax
import jax.numpy as jnp
from jax import lax
from jax.experimental import pallas as pl
from jax.experimental.pallas import tpu as pltpu
from jax.experimental.pallas import tpu_sc as plsc

N = 10000
E = 160000
D = 256
LANES = 16
NUM_TILES = 32
EPT = E // NUM_TILES
VECS = (EPT + LANES - 1) // LANES
CAP = 5120
WCH = 512
HCH = 64
GCAP = NUM_TILES * HCH
ATHR = -104.0

_MESH = plsc.VectorSubcoreMesh(core_axis_name="c", subcore_axis_name="s")

_SC_PARAMS = pltpu.CompilerParams(
    needs_layout_passes=False, use_tc_tiling_on_sc=False)



def _edge_body(d0_hbm, d1_hbm, d2_hbm, src_hbm, dst_hbm, par_hbm,
               counts_hbm, hsrc_hbm, hdst_hbm, hval_hbm,
               csrc_hbm, cdst_hbm, cval_hbm,
               d0_v, d1_v, d2_v, src_v, dst_v, par_v,
               csrc_v, cdst_v, cval_v, cnt_v, sem):
    c = lax.axis_index("c")
    s = lax.axis_index("s")
    w = c * 16 + s
    ebase = w * EPT
    cps = [
        pltpu.async_copy(d0_hbm, d0_v, sem),
        pltpu.async_copy(d1_hbm, d1_v, sem),
        pltpu.async_copy(d2_hbm, d2_v, sem),
        pltpu.async_copy(src_hbm.at[pl.ds(ebase, EPT)],
                         src_v.at[pl.ds(0, EPT)], sem),
        pltpu.async_copy(dst_hbm.at[pl.ds(ebase, EPT)],
                         dst_v.at[pl.ds(0, EPT)], sem),
        pltpu.async_copy(par_hbm, par_v, sem),
    ]
    for cp in cps:
        cp.wait()
    mu0 = par_v[0, :]
    mu1 = par_v[1, :]
    mu2 = par_v[2, :]
    msig = par_v[3, :]
    lane = lax.iota(jnp.int32, LANES)

    def process(sv, dv, valid, offv):
        a0 = plsc.load_gather(d0_v, [sv])
        a1 = plsc.load_gather(d1_v, [sv])
        a2 = plsc.load_gather(d2_v, [sv])
        b0 = plsc.load_gather(d0_v, [dv])
        b1 = plsc.load_gather(d1_v, [dv])
        b2 = plsc.load_gather(d2_v, [dv])
        t0 = (a0 - b0) - mu0
        t1 = (a1 - b1) - mu1
        t2 = (a2 - b2) - mu2
        arg = (t0 * t0 + t1 * t1 + t2 * t2) * msig
        mask = (arg >= ATHR) & valid
        cntv = plsc.all_reduce_population_count(mask)

        @pl.when(cntv[0] > 0)
        def _():
            mi = mask.astype(jnp.int32)
            val = jnp.exp(arg)
            pos = plsc.cumsum(mi)
            idx = (offv + pos) - 1
            plsc.store_scatter(csrc_v, [idx], sv, mask=mask)
            plsc.store_scatter(cdst_v, [idx], dv, mask=mask)
            plsc.store_scatter(cval_v, [idx], val, mask=mask)

        return offv + cntv

    tvec = jnp.ones((LANES,), jnp.bool_)

    def body(i, offv):
        sl = pl.ds(i * LANES, LANES)
        return process(src_v[sl], dst_v[sl], tvec, offv)

    offv = lax.fori_loop(0, VECS - 1, body, jnp.zeros((LANES,), jnp.int32),
                         unroll=2)
    sl = pl.ds((VECS - 1) * LANES, LANES)
    offv = process(jnp.where(lane < EPT % LANES, src_v[sl], 0),
                   jnp.where(lane < EPT % LANES, dst_v[sl], 0),
                   lane < EPT % LANES, offv)
    off = offv[0]
    cnt_v[...] = jnp.where(lane == 0, offv, 0)
    pltpu.sync_copy(cnt_v, counts_hbm.at[w])
    pltpu.sync_copy(csrc_v.at[pl.ds(0, HCH)], hsrc_hbm.at[w])
    pltpu.sync_copy(cdst_v.at[pl.ds(0, HCH)], hdst_hbm.at[w])
    pltpu.sync_copy(cval_v.at[pl.ds(0, HCH)], hval_hbm.at[w])

    def wb(ci, _):
        slw = pl.ds(ci * WCH, WCH)
        pltpu.sync_copy(csrc_v.at[slw], csrc_hbm.at[w, slw])
        pltpu.sync_copy(cdst_v.at[slw], cdst_hbm.at[w, slw])
        pltpu.sync_copy(cval_v.at[slw], cval_hbm.at[w, slw])
        return 0

    lax.fori_loop(0, (jnp.maximum(off - HCH, 0) + WCH - 1) // WCH, wb, 0)


def _edge_weights(d0, d1, d2, src, dst, params):
    f = pl.kernel(
        _edge_body,
        out_type=(
            jax.ShapeDtypeStruct((NUM_TILES, LANES), jnp.int32),
            jax.ShapeDtypeStruct((NUM_TILES, HCH), jnp.int32),
            jax.ShapeDtypeStruct((NUM_TILES, HCH), jnp.int32),
            jax.ShapeDtypeStruct((NUM_TILES, HCH), jnp.float32),
            jax.ShapeDtypeStruct((NUM_TILES, CAP), jnp.int32),
            jax.ShapeDtypeStruct((NUM_TILES, CAP), jnp.int32),
            jax.ShapeDtypeStruct((NUM_TILES, CAP), jnp.float32),
        ),
        mesh=_MESH,
        compiler_params=_SC_PARAMS,
        scratch_types=[
            pltpu.VMEM((N,), jnp.float32),
            pltpu.VMEM((N,), jnp.float32),
            pltpu.VMEM((N,), jnp.float32),
            pltpu.VMEM((VECS * LANES,), jnp.int32),
            pltpu.VMEM((VECS * LANES,), jnp.int32),
            pltpu.VMEM((4, LANES), jnp.float32),
            pltpu.VMEM((CAP,), jnp.int32),
            pltpu.VMEM((CAP,), jnp.int32),
            pltpu.VMEM((CAP,), jnp.float32),
            pltpu.VMEM((LANES,), jnp.int32),
            pltpu.SemaphoreType.DMA,
        ],
    )
    return f(d0, d1, d2, src, dst, params)



def _tc_round_body(first, cnts_ref, hsrc_ref, hdst_ref, hval_ref, roff_ref,
                   x_ref, w_ref, bias_ref, prev_ref, out_ref, flag_ref,
                   xg_ref, gsrc_ref, gval_ref, sem):
    roff = roff_ref[0]

    def seg(t, n):
        m = jnp.clip(cnts_ref[t, 0] - roff, 0, HCH)

        def e_body(k, n, t=t):
            dst_s = hdst_ref[t, k]
            pltpu.make_async_copy(
                x_ref.at[pl.ds(dst_s, 1)], xg_ref.at[pl.ds(n, 1)], sem
            ).start()
            gsrc_ref[n] = hsrc_ref[t, k]
            gval_ref[n] = hval_ref[t, k]
            return n + 1

        return lax.fori_loop(0, m, e_body, n)

    n = lax.fori_loop(0, NUM_TILES, seg, jnp.int32(0))

    def ovf(t, f):
        return f | (cnts_ref[t, 0] - roff > HCH).astype(jnp.int32)

    flag_ref[0] = lax.fori_loop(0, NUM_TILES, ovf, jnp.int32(0))

    if first:
        out_ref[...] = jnp.broadcast_to(bias_ref[...][None, :], (N, D))
    else:
        out_ref[...] = prev_ref[...]

    def drain(i, _):
        pltpu.make_async_copy(
            x_ref.at[pl.ds(0, 1)], xg_ref.at[pl.ds(i, 1)], sem
        ).wait()
        return 0

    lax.fori_loop(0, n, drain, 0)

    def acc(i, _):
        xrow = xg_ref[pl.ds(i, 1), :]
        srow = lax.dot_general(
            xrow, w_ref[...], (((1,), (0,)), ((), ())),
            preferred_element_type=jnp.float32,
            precision=lax.Precision.HIGHEST,
        )
        src_s = gsrc_ref[i]
        out_ref[pl.ds(src_s, 1), :] += gval_ref[i] * srow
        return 0

    lax.fori_loop(0, n, acc, 0)


def _tc_round(first, counts, hsrc, hdst, hval, roff, x, weight, bias, prev):
    body = functools.partial(_tc_round_body, first)
    return pl.pallas_call(
        body,
        in_specs=[
            pl.BlockSpec(memory_space=pltpu.SMEM),
            pl.BlockSpec(memory_space=pltpu.SMEM),
            pl.BlockSpec(memory_space=pltpu.SMEM),
            pl.BlockSpec(memory_space=pltpu.SMEM),
            pl.BlockSpec(memory_space=pltpu.SMEM),
            pl.BlockSpec(memory_space=pl.ANY),
            pl.BlockSpec(memory_space=pltpu.VMEM),
            pl.BlockSpec(memory_space=pltpu.VMEM),
            pl.BlockSpec(memory_space=pltpu.VMEM),
        ],
        out_specs=[
            pl.BlockSpec(memory_space=pltpu.VMEM),
            pl.BlockSpec(memory_space=pltpu.SMEM),
        ],
        out_shape=[
            jax.ShapeDtypeStruct((N, D), jnp.float32),
            jax.ShapeDtypeStruct((1,), jnp.int32),
        ],
        scratch_shapes=[
            pltpu.VMEM((GCAP, D), jnp.float32),
            pltpu.SMEM((GCAP,), jnp.int32),
            pltpu.SMEM((GCAP,), jnp.float32),
            pltpu.SemaphoreType.DMA,
        ],

    )(counts, hsrc, hdst, hval, roff, x, weight, bias, prev)



def kernel(x, edge_index, weight, bias, mu, sig):
    x = x.astype(jnp.float32)
    ei = edge_index.astype(jnp.int32)
    src = ei[0]
    dst = ei[1]
    d0 = x[:, 0]
    d1 = x[:, 1]
    d2 = x[:, 2]
    params = jnp.broadcast_to(
        jnp.concatenate([mu.astype(jnp.float32),
                         -0.5 * sig.astype(jnp.float32)])[:, None],
        (4, LANES))
    weight = weight.astype(jnp.float32)
    bias = bias.astype(jnp.float32)
    counts, hsrc, hdst, hval, csrc, cdst, cval = _edge_weights(
        d0, d1, d2, src, dst, params)

    roff0 = jnp.zeros((1,), jnp.int32)
    out, flag = _tc_round(True, counts, hsrc, hdst, hval, roff0,
                          x, weight, bias, jnp.zeros((1, 1), jnp.float32))

    def w_cond(state):
        _, _, flag = state
        return flag[0] > 0

    def w_body(state):
        r, prev, _ = state
        ro = jnp.full((1,), r * HCH, jnp.int32)
        hs = lax.dynamic_slice(csrc, (0, r * HCH), (NUM_TILES, HCH))
        hd = lax.dynamic_slice(cdst, (0, r * HCH), (NUM_TILES, HCH))
        hv = lax.dynamic_slice(cval, (0, r * HCH), (NUM_TILES, HCH))
        nxt, fl = _tc_round(False, counts, hs, hd, hv, ro,
                            x, weight, bias, prev)
        return r + 1, nxt, fl

    _, out, _ = lax.while_loop(w_cond, w_body, (jnp.int32(1), out, flag))
    return out

# --- scband reference (transcript-rebuilt; emitter-appended) ---
"""Pipeline reference for scband-graph-convolution-66984309948592 (READ-ONLY COPY).

The authoritative reference and input builder live on the scoring server;
editing this copy changes nothing except your own understanding.
"""

import jax, jax.numpy as jnp
import numpy as np

N = 10000
E = 160000
D_IN = 256
D_OUT = 256
EMB = 3


def setup_inputs(seed: int = 0) -> dict:
    key = jax.random.key(seed)
    k_x, k_ei, k_w, k_b, k_mu = jax.random.split(key, 5)
    x = jax.random.normal(k_x, (N, D_IN), dtype=jnp.float32)
    edge_index = jax.random.randint(k_ei, (2, E), 0, N, dtype=jnp.int64)
    # Parameters per reset_parameters():
    weight = jax.random.normal(k_w, (D_IN, D_OUT), dtype=jnp.float32) * 0.1
    bias = jax.random.normal(k_b, (D_OUT,), dtype=jnp.float32) * 0.1
    mu = jax.random.normal(k_mu, (EMB,), dtype=jnp.float32) * 0.005
    sig = jnp.zeros((1,), dtype=jnp.float32) + 60140.0
    return {"x": x, "edge_index": edge_index, "weight": weight, "bias": bias, "mu": mu, "sig": sig}


def reference(x, edge_index, weight, bias, mu, sig):
    # support = data._x @ W  (dense matmul)
    support = x @ weight
    # domain = first 3 feature columns
    domain = x[:, :3]
    src = edge_index[0, :]
    dst = edge_index[1, :]
    diff = domain[src, :] - domain[dst, :]
    # edge weights: exp(sig * (-0.5 * ||diff - mu||^2))
    value = jnp.exp(sig * (-0.5 * jnp.sum((diff - mu[None, :]) ** 2, axis=1)))
    # sparse adj (src -> row, dst -> col) times support:
    # output[i] = sum_{e: src_e == i} value_e * support[dst_e]
    messages = value[:, None] * support[dst, :]
    output = jax.ops.segment_sum(messages, src, num_segments=N)
    return output + bias

if __name__ == "__main__":
    import jax
    _d = setup_inputs()
    print(jax.jit(kernel)(*tuple(_d.values())))

</pallas_src>

<mosaic_0001>
#map = affine_map<(d0, d1) -> (0)>
#map1 = affine_map<(d0, d1) -> (0, 0)>
module attributes {stable_mosaic.version = 14 : i64} {
  func.func @_edge_body(%arg0: i32, %arg1: i32, %arg2: memref<10000xf32, #tpu.memory_space<hbm>>, %arg3: memref<10000xf32, #tpu.memory_space<hbm>>, %arg4: memref<10000xf32, #tpu.memory_space<hbm>>, %arg5: memref<160000xi32, #tpu.memory_space<hbm>>, %arg6: memref<160000xi32, #tpu.memory_space<hbm>>, %arg7: memref<4x16xf32, #tpu.memory_space<hbm>>, %arg8: memref<32x16xi32, #tpu.memory_space<hbm>>, %arg9: memref<32x64xi32, #tpu.memory_space<hbm>>, %arg10: memref<32x64xi32, #tpu.memory_space<hbm>>, %arg11: memref<32x64xf32, #tpu.memory_space<hbm>>, %arg12: memref<32x5120xi32, #tpu.memory_space<hbm>>, %arg13: memref<32x5120xi32, #tpu.memory_space<hbm>>, %arg14: memref<32x5120xf32, #tpu.memory_space<hbm>>, %arg15: memref<10000xf32, #tpu.memory_space<vmem>>, %arg16: memref<10000xf32, #tpu.memory_space<vmem>>, %arg17: memref<10000xf32, #tpu.memory_space<vmem>>, %arg18: memref<5008xi32, #tpu.memory_space<vmem>>, %arg19: memref<5008xi32, #tpu.memory_space<vmem>>, %arg20: memref<4x16xf32, #tpu.memory_space<vmem>>, %arg21: memref<5120xi32, #tpu.memory_space<vmem>>, %arg22: memref<5120xi32, #tpu.memory_space<vmem>>, %arg23: memref<5120xf32, #tpu.memory_space<vmem>>, %arg24: memref<16xi32, #tpu.memory_space<vmem>>, %arg25: memref<!tpu.dma_semaphore, #tpu.memory_space<semaphore_mem>>) attributes {dimension_semantics = [#tpu.dimension_semantics<core_parallel>, #tpu.dimension_semantics<subcore_parallel>], iteration_bounds = array<i64: 2, 16>, scalar_prefetch = 0 : i64, scratch_operands = 11 : i64, tpu.core_type = #tpu.core_type<sc_vector_subcore>, window_params = [{transform_indices = #map}, {transform_indices = #map}, {transform_indices = #map}, {transform_indices = #map}, {transform_indices = #map}, {transform_indices = #map1}, {transform_indices = #map1}, {transform_indices = #map1}, {transform_indices = #map1}, {transform_indices = #map1}, {transform_indices = #map1}, {transform_indices = #map1}, {transform_indices = #map1}]} {
    %mul3A = arith.constant 16 : i32
    %mul3A_0 = arith.muli %arg0, %mul3A : i32
    %add3A = arith.addi %mul3A_0, %arg1 : i32
    %mul3A_1 = arith.constant 5000 : i32
    %mul3A_2 = arith.muli %add3A, %mul3A_1 : i32
    tpu.enqueue_dma source(%arg2 : memref<10000xf32, #tpu.memory_space<hbm>>) target(%arg15 : memref<10000xf32, #tpu.memory_space<vmem>>) target_semaphore(%arg25 : memref<!tpu.dma_semaphore, #tpu.memory_space<semaphore_mem>>)
    tpu.enqueue_dma source(%arg3 : memref<10000xf32, #tpu.memory_space<hbm>>) target(%arg16 : memref<10000xf32, #tpu.memory_space<vmem>>) target_semaphore(%arg25 : memref<!tpu.dma_semaphore, #tpu.memory_space<semaphore_mem>>)
    tpu.enqueue_dma source(%arg4 : memref<10000xf32, #tpu.memory_space<hbm>>) target(%arg17 : memref<10000xf32, #tpu.memory_space<vmem>>) target_semaphore(%arg25 : memref<!tpu.dma_semaphore, #tpu.memory_space<semaphore_mem>>)
    %dma_start3A = arith.constant 0 : i32
    %dma_start3A_3 = tpu.memref_slice %arg18[%dma_start3A] : memref<5008xi32, #tpu.memory_space<vmem>> -> memref<5000xi32, #tpu.memory_space<vmem>>
    %dma_start3A_4 = tpu.memref_slice %arg5[%mul3A_2] : memref<160000xi32, #tpu.memory_space<hbm>> -> memref<5000xi32, #tpu.memory_space<hbm>>
    %dma_start3A_5 = arith.constant 0 : i32
    %dma_start3A_6 = tpu.memref_slice %arg18[%dma_start3A_5] : memref<5008xi32, #tpu.memory_space<vmem>> -> memref<5000xi32, #tpu.memory_space<vmem>>
    %dma_start3A_7 = tpu.memref_slice %arg5[%mul3A_2] : memref<160000xi32, #tpu.memory_space<hbm>> -> memref<5000xi32, #tpu.memory_space<hbm>>
    tpu.enqueue_dma source(%dma_start3A_7 : memref<5000xi32, #tpu.memory_space<hbm>>) target(%dma_start3A_6 : memref<5000xi32, #tpu.memory_space<vmem>>) target_semaphore(%arg25 : memref<!tpu.dma_semaphore, #tpu.memory_space<semaphore_mem>>)
    %dma_start3A_8 = arith.constant 0 : i32
    %dma_start3A_9 = tpu.memref_slice %arg19[%dma_start3A_8] : memref<5008xi32, #tpu.memory_space<vmem>> -> memref<5000xi32, #tpu.memory_space<vmem>>
    %dma_start3A_10 = tpu.memref_slice %arg6[%mul3A_2] : memref<160000xi32, #tpu.memory_space<hbm>> -> memref<5000xi32, #tpu.memory_space<hbm>>
    %dma_start3A_11 = arith.constant 0 : i32
    %dma_start3A_12 = tpu.memref_slice %arg19[%dma_start3A_11] : memref<5008xi32, #tpu.memory_space<vmem>> -> memref<5000xi32, #tpu.memory_space<vmem>>
    %dma_start3A_13 = tpu.memref_slice %arg6[%mul3A_2] : memref<160000xi32, #tpu.memory_space<hbm>> -> memref<5000xi32, #tpu.memory_space<hbm>>
    tpu.enqueue_dma source(%dma_start3A_13 : memref<5000xi32, #tpu.memory_space<hbm>>) target(%dma_start3A_12 : memref<5000xi32, #tpu.memory_space<vmem>>) target_semaphore(%arg25 : memref<!tpu.dma_semaphore, #tpu.memory_space<semaphore_mem>>)
    tpu.enqueue_dma source(%arg7 : memref<4x16xf32, #tpu.memory_space<hbm>>) target(%arg20 : memref<4x16xf32, #tpu.memory_space<vmem>>) target_semaphore(%arg25 : memref<!tpu.dma_semaphore, #tpu.memory_space<semaphore_mem>>)
    tpu.wait_dma2 semaphore(%arg25 : memref<!tpu.dma_semaphore, #tpu.memory_space<semaphore_mem>>) src(%arg2 : memref<10000xf32, #tpu.memory_space<hbm>>) dst(%arg15 : memref<10000xf32, #tpu.memory_space<vmem>>)
    tpu.wait_dma2 semaphore(%arg25 : memref<!tpu.dma_semaphore, #tpu.memory_space<semaphore_mem>>) src(%arg3 : memref<10000xf32, #tpu.memory_space<hbm>>) dst(%arg16 : memref<10000xf32, #tpu.memory_space<vmem>>)
    tpu.wait_dma2 semaphore(%arg25 : memref<!tpu.dma_semaphore, #tpu.memory_space<semaphore_mem>>) src(%arg4 : memref<10000xf32, #tpu.memory_space<hbm>>) dst(%arg17 : memref<10000xf32, #tpu.memory_space<vmem>>)
    %dma_wait3A = arith.constant 0 : i32
    %dma_wait3A_14 = tpu.memref_slice %arg18[%dma_wait3A] : memref<5008xi32, #tpu.memory_space<vmem>> -> memref<5000xi32, #tpu.memory_space<vmem>>
    %dma_wait3A_15 = tpu.memref_slice %arg5[%mul3A_2] : memref<160000xi32, #tpu.memory_space<hbm>> -> memref<5000xi32, #tpu.memory_space<hbm>>
    %dma_wait3A_16 = arith.constant 0 : i32
    %dma_wait3A_17 = tpu.memref_slice %arg18[%dma_wait3A_16] : memref<5008xi32, #tpu.memory_space<vmem>> -> memref<5000xi32, #tpu.memory_space<vmem>>
    %dma_wait3A_18 = tpu.memref_slice %arg5[%mul3A_2] : memref<160000xi32, #tpu.memory_space<hbm>> -> memref<5000xi32, #tpu.memory_space<hbm>>
    tpu.wait_dma2 semaphore(%arg25 : memref<!tpu.dma_semaphore, #tpu.memory_space<semaphore_mem>>) src(%dma_wait3A_18 : memref<5000xi32, #tpu.memory_space<hbm>>) dst(%dma_wait3A_17 : memref<5000xi32, #tpu.memory_space<vmem>>)
    %dma_wait3A_19 = arith.constant 0 : i32
    %dma_wait3A_20 = tpu.memref_slice %arg19[%dma_wait3A_19] : memref<5008xi32, #tpu.memory_space<vmem>> -> memref<5000xi32, #tpu.memory_space<vmem>>
    %dma_wait3A_21 = tpu.memref_slice %arg6[%mul3A_2] : memref<160000xi32, #tpu.memory_space<hbm>> -> memref<5000xi32, #tpu.memory_space<hbm>>
    %dma_wait3A_22 = arith.constant 0 : i32
    %dma_wait3A_23 = tpu.memref_slice %arg19[%dma_wait3A_22] : memref<5008xi32, #tpu.memory_space<vmem>> -> memref<5000xi32, #tpu.memory_space<vmem>>
    %dma_wait3A_24 = tpu.memref_slice %arg6[%mul3A_2] : memref<160000xi32, #tpu.memory_space<hbm>> -> memref<5000xi32, #tpu.memory_space<hbm>>
    tpu.wait_dma2 semaphore(%arg25 : memref<!tpu.dma_semaphore, #tpu.memory_space<semaphore_mem>>) src(%dma_wait3A_24 : memref<5000xi32, #tpu.memory_space<hbm>>) dst(%dma_wait3A_23 : memref<5000xi32, #tpu.memory_space<vmem>>)
    tpu.wait_dma2 semaphore(%arg25 : memref<!tpu.dma_semaphore, #tpu.memory_space<semaphore_mem>>) src(%arg7 : memref<4x16xf32, #tpu.memory_space<hbm>>) dst(%arg20 : memref<4x16xf32, #tpu.memory_space<vmem>>)
    %get3A = arith.constant 0 : i32
    %get3A_25 = arith.index_cast %get3A : i32 to index
    %get3A_26 = arith.constant 0 : index
    %get3A_27 = tpu.vector_load %arg20[%get3A_25, %get3A_26] {strides = array<i32>} : memref<4x16xf32, #tpu.memory_space<vmem>>, vector<16xf32>,
    %get3A_28 = arith.constant 1 : i32
    %get3A_29 = arith.index_cast %get3A_28 : i32 to index
    %get3A_30 = arith.constant 0 : index
    %get3A_31 = tpu.vector_load %arg20[%get3A_29, %get3A_30] {strides = array<i32>} : memref<4x16xf32, #tpu.memory_space<vmem>>, vector<16xf32>,
    %get3A_32 = arith.constant 2 : i32
    %get3A_33 = arith.index_cast %get3A_32 : i32 to index
    %get3A_34 = arith.constant 0 : index
    %get3A_35 = tpu.vector_load %arg20[%get3A_33, %get3A_34] {strides = array<i32>} : memref<4x16xf32, #tpu.memory_space<vmem>>, vector<16xf32>,
    %get3A_36 = arith.constant 3 : i32
    %get3A_37 = arith.index_cast %get3A_36 : i32 to index
    %get3A_38 = arith.constant 0 : index
    %get3A_39 = tpu.vector_load %arg20[%get3A_37, %get3A_38] {strides = array<i32>} : memref<4x16xf32, #tpu.memory_space<vmem>>, vector<16xf32>,
    %iota3A = tpu.iota {dimensions = array<i32: 0>} : vector<16xi32>
    %broadcast_in_dim3A = arith.constant true
    %broadcast_in_dim3A_40 = vector.broadcast %broadcast_in_dim3A : i1 to vector<16xi1>
    %broadcast_in_dim3A_41 = arith.constant 0 : i32
    %broadcast_in_dim3A_42 = vector.broadcast %broadcast_in_dim3A_41 : i32 to vector<16xi32>
    %scan3A = arith.constant 0 : i32
    %scan3A_43 = arith.constant 312 : i32
    %scan3A_44 = arith.addi %scan3A, %scan3A_43 : i32
    %scan3A_45 = arith.constant 2 : i32
    %scan3A_46 = scf.for %scan3A_131 = %scan3A to %scan3A_44 step %scan3A_45 iter_args(%scan3A_132 = %broadcast_in_dim3A_42) -> (vector<16xi32>)  : i32 {
      %mul3A_133 = arith.constant 16 : i32
      %mul3A_134 = arith.muli %scan3A_131, %mul3A_133 : i32
      %get3A_135 = arith.index_cast %mul3A_134 : i32 to index
      %get3A_136 = tpu.vector_load %arg18[%get3A_135] {strides = array<i32>} : memref<5008xi32, #tpu.memory_space<vmem>>, vector<16xi32>,
      %get3A_137 = arith.index_cast %mul3A_134 : i32 to index
      %get3A_138 = tpu.vector_load %arg19[%get3A_137] {strides = array<i32>} : memref<5008xi32, #tpu.memory_space<vmem>>, vector<16xi32>,
      %gather3A_139 = tpu.vector_load_idx %arg15[%get3A_136] : memref<10000xf32, #tpu.memory_space<vmem>>[vector<16xi32>], vector<16xf32>,
      %gather3A_140 = tpu.vector_load_idx %arg16[%get3A_136] : memref<10000xf32, #tpu.memory_space<vmem>>[vector<16xi32>], vector<16xf32>,
      %gather3A_141 = tpu.vector_load_idx %arg17[%get3A_136] : memref<10000xf32, #tpu.memory_space<vmem>>[vector<16xi32>], vector<16xf32>,
      %gather3A_142 = tpu.vector_load_idx %arg15[%get3A_138] : memref<10000xf32, #tpu.memory_space<vmem>>[vector<16xi32>], vector<16xf32>,
      %gather3A_143 = tpu.vector_load_idx %arg16[%get3A_138] : memref<10000xf32, #tpu.memory_space<vmem>>[vector<16xi32>], vector<16xf32>,
      %gather3A_144 = tpu.vector_load_idx %arg17[%get3A_138] : memref<10000xf32, #tpu.memory_space<vmem>>[vector<16xi32>], vector<16xf32>,
      %sub3A_145 = arith.subf %gather3A_139, %gather3A_142 : vector<16xf32>
      %sub3A_146 = arith.subf %sub3A_145, %get3A_27 : vector<16xf32>
      %sub3A_147 = arith.subf %gather3A_140, %gather3A_143 : vector<16xf32>
      %sub3A_148 = arith.subf %sub3A_147, %get3A_31 : vector<16xf32>
      %sub3A_149 = arith.subf %gather3A_141, %gather3A_144 : vector<16xf32>
      %sub3A_150 = arith.subf %sub3A_149, %get3A_35 : vector<16xf32>
      %mul3A_151 = arith.mulf %sub3A_146, %sub3A_146 : vector<16xf32>
      %mul3A_152 = arith.mulf %sub3A_148, %sub3A_148 : vector<16xf32>
      %add3A_153 = arith.addf %mul3A_151, %mul3A_152 : vector<16xf32>
      %mul3A_154 = arith.mulf %sub3A_150, %sub3A_150 : vector<16xf32>
      %add3A_155 = arith.addf %add3A_153, %mul3A_154 : vector<16xf32>
      %mul3A_156 = arith.mulf %add3A_155, %get3A_39 : vector<16xf32>
      %ge3A_157 = arith.constant -1.040000e+02 : f32
      %ge3A_158 = vector.broadcast %ge3A_157 : f32 to vector<16xf32>
      %ge3A_159 = arith.cmpf oge, %mul3A_156, %ge3A_158 : vector<16xf32>
      %and3A_160 = arith.andi %ge3A_159, %broadcast_in_dim3A_40 : vector<16xi1>
      %all_reduce_population_count3A_161 = tpu.all_reduce %and3A_160 {dim = 0 : i64, kind = #tpu.reduction_kind<sum>} : vector<16xi1> -> vector<16xi32>
      %slice3A_162 = vector.extract_strided_slice %all_reduce_population_count3A_161 {offsets = [0], sizes = [1], strides = [1]} : vector<16xi32> to vector<1xi32>
      %squeeze3A_163 = vector.extract %slice3A_162[0] : i32 from vector<1xi32>
      %gt3A_164 = arith.constant 0 : i32
      %gt3A_165 = arith.cmpi sgt, %squeeze3A_163, %gt3A_164 : i32
      %convert_element_type3A_166 = arith.extui %gt3A_165 : i1 to i32
      %cond3A_167 = arith.constant 0 : i32
      %cond3A_168 = arith.cmpi ne, %convert_element_type3A_166, %cond3A_167 : i32
      scf.if %cond3A_168 {
        %convert_element_type3A_209 = arith.extui %and3A_160 : vector<16xi1> to vector<16xi32>
        %exp3A = math.exp %mul3A_156 : vector<16xf32>
        %broadcast_in_dim3A_210 = arith.constant true
        %broadcast_in_dim3A_211 = vector.broadcast %broadcast_in_dim3A_210 : i1 to vector<16xi1>
        %masked_cumsum3A = tpu.scan <sum>, %convert_element_type3A_209 masked %broadcast_in_dim3A_211 : vector<16xi32>, vector<16xi1> -> vector<16xi32>
        %add3A_212 = arith.addi %scan3A_132, %masked_cumsum3A : vector<16xi32>
        %sub3A_213 = arith.constant 1 : i32
        %sub3A_214 = vector.broadcast %sub3A_213 : i32 to vector<16xi32>
        %sub3A_215 = arith.subi %add3A_212, %sub3A_214 : vector<16xi32>
        tpu.vector_store_idx %arg21[%sub3A_215], %get3A_136 masked %and3A_160 : memref<5120xi32, #tpu.memory_space<vmem>>[vector<16xi32>], vector<16xi32>, vector<16xi1>
        tpu.vector_store_idx %arg22[%sub3A_215], %get3A_138 masked %and3A_160 : memref<5120xi32, #tpu.memory_space<vmem>>[vector<16xi32>], vector<16xi32>, vector<16xi1>
        tpu.vector_store_idx %arg23[%sub3A_215], %exp3A masked %and3A_160 : memref<5120xf32, #tpu.memory_space<vmem>>[vector<16xi32>], vector<16xf32>, vector<16xi1>
      } else {
      }
      %add3A_169 = arith.addi %scan3A_132, %all_reduce_population_count3A_161 : vector<16xi32>
      %scan3A_170 = arith.constant 1 : i32
      %scan3A_171 = arith.addi %scan3A_131, %scan3A_170 : i32
      %mul3A_172 = arith.constant 16 : i32
      %mul3A_173 = arith.muli %scan3A_171, %mul3A_172 : i32
      %get3A_174 = arith.index_cast %mul3A_173 : i32 to index
      %get3A_175 = tpu.vector_load %arg18[%get3A_174] {strides = array<i32>} : memref<5008xi32, #tpu.memory_space<vmem>>, vector<16xi32>,
      %get3A_176 = arith.index_cast %mul3A_173 : i32 to index
      %get3A_177 = tpu.vector_load %arg19[%get3A_176] {strides = array<i32>} : memref<5008xi32, #tpu.memory_space<vmem>>, vector<16xi32>,
      %gather3A_178 = tpu.vector_load_idx %arg15[%get3A_175] : memref<10000xf32, #tpu.memory_space<vmem>>[vector<16xi32>], vector<16xf32>,
      %gather3A_179 = tpu.vector_load_idx %arg16[%get3A_175] : memref<10000xf32, #tpu.memory_space<vmem>>[vector<16xi32>], vector<16xf32>,
      %gather3A_180 = tpu.vector_load_idx %arg17[%get3A_175] : memref<10000xf32, #tpu.memory_space<vmem>>[vector<16xi32>], vector<16xf32>,
      %gather3A_181 = tpu.vector_load_idx %arg15[%get3A_177] : memref<10000xf32, #tpu.memory_space<vmem>>[vector<16xi32>], vector<16xf32>,
      %gather3A_182 = tpu.vector_load_idx %arg16[%get3A_177] : memref<10000xf32, #tpu.memory_space<vmem>>[vector<16xi32>], vector<16xf32>,
      %gather3A_183 = tpu.vector_load_idx %arg17[%get3A_177] : memref<10000xf32, #tpu.memory_space<vmem>>[vector<16xi32>], vector<16xf32>,
      %sub3A_184 = arith.subf %gather3A_178, %gather3A_181 : vector<16xf32>
      %sub3A_185 = arith.subf %sub3A_184, %get3A_27 : vector<16xf32>
      %sub3A_186 = arith.subf %gather3A_179, %gather3A_182 : vector<16xf32>
      %sub3A_187 = arith.subf %sub3A_186, %get3A_31 : vector<16xf32>
      %sub3A_188 = arith.subf %gather3A_180, %gather3A_183 : vector<16xf32>
      %sub3A_189 = arith.subf %sub3A_188, %get3A_35 : vector<16xf32>
      %mul3A_190 = arith.mulf %sub3A_185, %sub3A_185 : vector<16xf32>
      %mul3A_191 = arith.mulf %sub3A_187, %sub3A_187 : vector<16xf32>
      %add3A_192 = arith.addf %mul3A_190, %mul3A_191 : vector<16xf32>
      %mul3A_193 = arith.mulf %sub3A_189, %sub3A_189 : vector<16xf32>
      %add3A_194 = arith.addf %add3A_192, %mul3A_193 : vector<16xf32>
      %mul3A_195 = arith.mulf %add3A_194, %get3A_39 : vector<16xf32>
      %ge3A_196 = arith.constant -1.040000e+02 : f32
      %ge3A_197 = vector.broadcast %ge3A_196 : f32 to vector<16xf32>
      %ge3A_198 = arith.cmpf oge, %mul3A_195, %ge3A_197 : vector<16xf32>
      %and3A_199 = arith.andi %ge3A_198, %broadcast_in_dim3A_40 : vector<16xi1>
      %all_reduce_population_count3A_200 = tpu.all_reduce %and3A_199 {dim = 0 : i64, kind = #tpu.reduction_kind<sum>} : vector<16xi1> -> vector<16xi32>
      %slice3A_201 = vector.extract_strided_slice %all_reduce_population_count3A_200 {offsets = [0], sizes = [1], strides = [1]} : vector<16xi32> to vector<1xi32>
      %squeeze3A_202 = vector.extract %slice3A_201[0] : i32 from vector<1xi32>
      %gt3A_203 = arith.constant 0 : i32
      %gt3A_204 = arith.cmpi sgt, %squeeze3A_202, %gt3A_203 : i32
      %convert_element_type3A_205 = arith.extui %gt3A_204 : i1 to i32
      %cond3A_206 = arith.constant 0 : i32
      %cond3A_207 = arith.cmpi ne, %convert_element_type3A_205, %cond3A_206 : i32
      scf.if %cond3A_207 {
        %convert_element_type3A_209 = arith.extui %and3A_199 : vector<16xi1> to vector<16xi32>
        %exp3A = math.exp %mul3A_195 : vector<16xf32>
        %broadcast_in_dim3A_210 = arith.constant true
        %broadcast_in_dim3A_211 = vector.broadcast %broadcast_in_dim3A_210 : i1 to vector<16xi1>
        %masked_cumsum3A = tpu.scan <sum>, %convert_element_type3A_209 masked %broadcast_in_dim3A_211 : vector<16xi32>, vector<16xi1> -> vector<16xi32>
        %add3A_212 = arith.addi %add3A_169, %masked_cumsum3A : vector<16xi32>
        %sub3A_213 = arith.constant 1 : i32
        %sub3A_214 = vector.broadcast %sub3A_213 : i32 to vector<16xi32>
        %sub3A_215 = arith.subi %add3A_212, %sub3A_214 : vector<16xi32>
        tpu.vector_store_idx %arg21[%sub3A_215], %get3A_175 masked %and3A_199 : memref<5120xi32, #tpu.memory_space<vmem>>[vector<16xi32>], vector<16xi32>, vector<16xi1>
        tpu.vector_store_idx %arg22[%sub3A_215], %get3A_177 masked %and3A_199 : memref<5120xi32, #tpu.memory_space<vmem>>[vector<16xi32>], vector<16xi32>, vector<16xi1>
        tpu.vector_store_idx %arg23[%sub3A_215], %exp3A masked %and3A_199 : memref<5120xf32, #tpu.memory_space<vmem>>[vector<16xi32>], vector<16xf32>, vector<16xi1>
      } else {
      }
      %add3A_208 = arith.addi %add3A_169, %all_reduce_population_count3A_200 : vector<16xi32>
      scf.yield %add3A_208 : vector<16xi32>
    }
    %scan3A_47 = arith.constant 312 : i32
    %lt3A = arith.constant 8 : i32
    %lt3A_48 = vector.broadcast %lt3A : i32 to vector<16xi32>
    %lt3A_49 = arith.cmpi slt, %iota3A, %lt3A_48 : vector<16xi32>
    %get3A_50 = arith.constant 4992 : index
    %get3A_51 = tpu.vector_load %arg18[%get3A_50] {strides = array<i32>} : memref<5008xi32, #tpu.memory_space<vmem>>, vector<16xi32>,
    %jit3A = arith.constant 0 : i32
    %broadcast_in_dim3A_52 = vector.broadcast %jit3A : i32 to vector<16xi32>
    %select_n3A = arith.select %lt3A_49, %get3A_51, %broadcast_in_dim3A_52 : vector<16xi1>, vector<16xi32>
    %lt3A_53 = arith.constant 8 : i32
    %lt3A_54 = vector.broadcast %lt3A_53 : i32 to vector<16xi32>
    %lt3A_55 = arith.cmpi slt, %iota3A, %lt3A_54 : vector<16xi32>
    %get3A_56 = arith.constant 4992 : index
    %get3A_57 = tpu.vector_load %arg19[%get3A_56] {strides = array<i32>} : memref<5008xi32, #tpu.memory_space<vmem>>, vector<16xi32>,
    %jit3A_58 = arith.constant 0 : i32
    %broadcast_in_dim3A_59 = vector.broadcast %jit3A_58 : i32 to vector<16xi32>
    %select_n3A_60 = arith.select %lt3A_55, %get3A_57, %broadcast_in_dim3A_59 : vector<16xi1>, vector<16xi32>
    %lt3A_61 = arith.constant 8 : i32
    %lt3A_62 = vector.broadcast %lt3A_61 : i32 to vector<16xi32>
    %lt3A_63 = arith.cmpi slt, %iota3A, %lt3A_62 : vector<16xi32>
    %gather3A = tpu.vector_load_idx %arg15[%select_n3A] : memref<10000xf32, #tpu.memory_space<vmem>>[vector<16xi32>], vector<16xf32>,
    %gather3A_64 = tpu.vector_load_idx %arg16[%select_n3A] : memref<10000xf32, #tpu.memory_space<vmem>>[vector<16xi32>], vector<16xf32>,
    %gather3A_65 = tpu.vector_load_idx %arg17[%select_n3A] : memref<10000xf32, #tpu.memory_space<vmem>>[vector<16xi32>], vector<16xf32>,
    %gather3A_66 = tpu.vector_load_idx %arg15[%select_n3A_60] : memref<10000xf32, #tpu.memory_space<vmem>>[vector<16xi32>], vector<16xf32>,
    %gather3A_67 = tpu.vector_load_idx %arg16[%select_n3A_60] : memref<10000xf32, #tpu.memory_space<vmem>>[vector<16xi32>], vector<16xf32>,
    %gather3A_68 = tpu.vector_load_idx %arg17[%select_n3A_60] : memref<10000xf32, #tpu.memory_space<vmem>>[vector<16xi32>], vector<16xf32>,
    %sub3A = arith.subf %gather3A, %gather3A_66 : vector<16xf32>
    %sub3A_69 = arith.subf %sub3A, %get3A_27 : vector<16xf32>
    %sub3A_70 = arith.subf %gather3A_64, %gather3A_67 : vector<16xf32>
    %sub3A_71 = arith.subf %sub3A_70, %get3A_31 : vector<16xf32>
    %sub3A_72 = arith.subf %gather3A_65, %gather3A_68 : vector<16xf32>
    %sub3A_73 = arith.subf %sub3A_72, %get3A_35 : vector<16xf32>
    %mul3A_74 = arith.mulf %sub3A_69, %sub3A_69 : vector<16xf32>
    %mul3A_75 = arith.mulf %sub3A_71, %sub3A_71 : vector<16xf32>
    %add3A_76 = arith.addf %mul3A_74, %mul3A_75 : vector<16xf32>
    %mul3A_77 = arith.mulf %sub3A_73, %sub3A_73 : vector<16xf32>
    %add3A_78 = arith.addf %add3A_76, %mul3A_77 : vector<16xf32>
    %mul3A_79 = arith.mulf %add3A_78, %get3A_39 : vector<16xf32>
    %ge3A = arith.constant -1.040000e+02 : f32
    %ge3A_80 = vector.broadcast %ge3A : f32 to vector<16xf32>
    %ge3A_81 = arith.cmpf oge, %mul3A_79, %ge3A_80 : vector<16xf32>
    %and3A = arith.andi %ge3A_81, %lt3A_63 : vector<16xi1>
    %all_reduce_population_count3A = tpu.all_reduce %and3A {dim = 0 : i64, kind = #tpu.reduction_kind<sum>} : vector<16xi1> -> vector<16xi32>
    %slice3A = vector.extract_strided_slice %all_reduce_population_count3A {offsets = [0], sizes = [1], strides = [1]} : vector<16xi32> to vector<1xi32>
    %squeeze3A = vector.extract %slice3A[0] : i32 from vector<1xi32>
    %gt3A = arith.constant 0 : i32
    %gt3A_82 = arith.cmpi sgt, %squeeze3A, %gt3A : i32
    %convert_element_type3A = arith.extui %gt3A_82 : i1 to i32
    %cond3A = arith.constant 0 : i32
    %cond3A_83 = arith.cmpi ne, %convert_element_type3A, %cond3A : i32
    scf.if %cond3A_83 {
      %convert_element_type3A_131 = arith.extui %and3A : vector<16xi1> to vector<16xi32>
      %exp3A = math.exp %mul3A_79 : vector<16xf32>
      %broadcast_in_dim3A_132 = arith.constant true
      %broadcast_in_dim3A_133 = vector.broadcast %broadcast_in_dim3A_132 : i1 to vector<16xi1>
      %masked_cumsum3A = tpu.scan <sum>, %convert_element_type3A_131 masked %broadcast_in_dim3A_133 : vector<16xi32>, vector<16xi1> -> vector<16xi32>
      %add3A_134 = arith.addi %scan3A_46, %masked_cumsum3A : vector<16xi32>
      %sub3A_135 = arith.constant 1 : i32
      %sub3A_136 = vector.broadcast %sub3A_135 : i32 to vector<16xi32>
      %sub3A_137 = arith.subi %add3A_134, %sub3A_136 : vector<16xi32>
      tpu.vector_store_idx %arg21[%sub3A_137], %select_n3A masked %and3A : memref<5120xi32, #tpu.memory_space<vmem>>[vector<16xi32>], vector<16xi32>, vector<16xi1>
      tpu.vector_store_idx %arg22[%sub3A_137], %select_n3A_60 masked %and3A : memref<5120xi32, #tpu.memory_space<vmem>>[vector<16xi32>], vector<16xi32>, vector<16xi1>
      tpu.vector_store_idx %arg23[%sub3A_137], %exp3A masked %and3A : memref<5120xf32, #tpu.memory_space<vmem>>[vector<16xi32>], vector<16xf32>, vector<16xi1>
    } else {
    }
    %add3A_84 = arith.addi %scan3A_46, %all_reduce_population_count3A : vector<16xi32>
    %slice3A_85 = vector.extract_strided_slice %add3A_84 {offsets = [0], sizes = [1], strides = [1]} : vector<16xi32> to vector<1xi32>
    %squeeze3A_86 = vector.extract %slice3A_85[0] : i32 from vector<1xi32>
    %eq3A = arith.constant 0 : i32
    %eq3A_87 = vector.broadcast %eq3A : i32 to vector<16xi32>
    %eq3A_88 = arith.cmpi eq, %iota3A, %eq3A_87 : vector<16xi32>
    %jit3A_89 = arith.constant 0 : i32
    %broadcast_in_dim3A_90 = vector.broadcast %jit3A_89 : i32 to vector<16xi32>
    %select_n3A_91 = arith.select %eq3A_88, %add3A_84, %broadcast_in_dim3A_90 : vector<16xi1>, vector<16xi32>
    %swap3A = arith.constant 0 : index
    %swap3A_92 = tpu.vector_load %arg24[%swap3A] {strides = array<i32>} : memref<16xi32, #tpu.memory_space<vmem>>, vector<16xi32>,
    tpu.vector_store %arg24[%swap3A], %select_n3A_91 {strides = array<i32>} : memref<16xi32, #tpu.memory_space<vmem>>, vector<16xi32>,
    "tpu.region"() ({
      %run_scoped3A = tpu.sem_alloc : memref<!tpu.dma_semaphore, #tpu.memory_space<semaphore_mem>>
      %dma_start3A_131 = arith.constant 0 : i32
      %dma_start3A_132 = tpu.memref_slice %arg8[%add3A, %dma_start3A_131] : memref<32x16xi32, #tpu.memory_space<hbm>> -> memref<1x16xi32, #tpu.memory_space<hbm>>
      %dma_start3A_133 = tpu.memref_squeeze %dma_start3A_132 : memref<1x16xi32, #tpu.memory_space<hbm>> -> memref<16xi32, #tpu.memory_space<hbm>>
      %dma_start3A_134 = arith.constant 0 : i32
      %dma_start3A_135 = tpu.memref_slice %arg8[%add3A, %dma_start3A_134] : memref<32x16xi32, #tpu.memory_space<hbm>> -> memref<1x16xi32, #tpu.memory_space<hbm>>
      %dma_start3A_136 = tpu.memref_squeeze %dma_start3A_135 : memref<1x16xi32, #tpu.memory_space<hbm>> -> memref<16xi32, #tpu.memory_space<hbm>>
      tpu.enqueue_dma source(%arg24 : memref<16xi32, #tpu.memory_space<vmem>>) target(%dma_start3A_136 : memref<16xi32, #tpu.memory_space<hbm>>) target_semaphore(%run_scoped3A : memref<!tpu.dma_semaphore, #tpu.memory_space<semaphore_mem>>)
      %dma_wait3A_137 = arith.constant 0 : i32
      %dma_wait3A_138 = tpu.memref_slice %arg8[%add3A, %dma_wait3A_137] : memref<32x16xi32, #tpu.memory_space<hbm>> -> memref<1x16xi32, #tpu.memory_space<hbm>>
      %dma_wait3A_139 = tpu.memref_squeeze %dma_wait3A_138 : memref<1x16xi32, #tpu.memory_space<hbm>> -> memref<16xi32, #tpu.memory_space<hbm>>
      %dma_wait3A_140 = arith.constant 0 : i32
      %dma_wait3A_141 = tpu.memref_slice %arg8[%add3A, %dma_wait3A_140] : memref<32x16xi32, #tpu.memory_space<hbm>> -> memref<1x16xi32, #tpu.memory_space<hbm>>
      %dma_wait3A_142 = tpu.memref_squeeze %dma_wait3A_141 : memref<1x16xi32, #tpu.memory_space<hbm>> -> memref<16xi32, #tpu.memory_space<hbm>>
      tpu.wait_dma2 semaphore(%run_scoped3A : memref<!tpu.dma_semaphore, #tpu.memory_space<semaphore_mem>>) src(%arg24 : memref<16xi32, #tpu.memory_space<vmem>>) dst(%dma_wait3A_142 : memref<16xi32, #tpu.memory_space<hbm>>)
      tpu.yield
    }) : () -> ()
    "tpu.region"() ({
      %run_scoped3A = tpu.sem_alloc : memref<!tpu.dma_semaphore, #tpu.memory_space<semaphore_mem>>
      %dma_start3A_131 = arith.constant 0 : i32
      %dma_start3A_132 = tpu.memref_slice %arg21[%dma_start3A_131] : memref<5120xi32, #tpu.memory_space<vmem>> -> memref<64xi32, #tpu.memory_space<vmem>>
      %dma_start3A_133 = arith.constant 0 : i32
      %dma_start3A_134 = tpu.memref_slice %arg9[%add3A, %dma_start3A_133] : memref<32x64xi32, #tpu.memory_space<hbm>> -> memref<1x64xi32, #tpu.memory_space<hbm>>
      %dma_start3A_135 = tpu.memref_squeeze %dma_start3A_134 : memref<1x64xi32, #tpu.memory_space<hbm>> -> memref<64xi32, #tpu.memory_space<hbm>>
      %dma_start3A_136 = arith.constant 0 : i32
      %dma_start3A_137 = tpu.memref_slice %arg9[%add3A, %dma_start3A_136] : memref<32x64xi32, #tpu.memory_space<hbm>> -> memref<1x64xi32, #tpu.memory_space<hbm>>
      %dma_start3A_138 = tpu.memref_squeeze %dma_start3A_137 : memref<1x64xi32, #tpu.memory_space<hbm>> -> memref<64xi32, #tpu.memory_space<hbm>>
      %dma_start3A_139 = arith.constant 0 : i32
      %dma_start3A_140 = tpu.memref_slice %arg21[%dma_start3A_139] : memref<5120xi32, #tpu.memory_space<vmem>> -> memref<64xi32, #tpu.memory_space<vmem>>
      tpu.enqueue_dma source(%dma_start3A_140 : memref<64xi32, #tpu.memory_space<vmem>>) target(%dma_start3A_138 : memref<64xi32, #tpu.memory_space<hbm>>) target_semaphore(%run_scoped3A : memref<!tpu.dma_semaphore, #tpu.memory_space<semaphore_mem>>)
      %dma_wait3A_141 = arith.constant 0 : i32
      %dma_wait3A_142 = tpu.memref_slice %arg21[%dma_wait3A_141] : memref<5120xi32, #tpu.memory_space<vmem>> -> memref<64xi32, #tpu.memory_space<vmem>>
      %dma_wait3A_143 = arith.constant 0 : i32
      %dma_wait3A_144 = tpu.memref_slice %arg9[%add3A, %dma_wait3A_143] : memref<32x64xi32, #tpu.memory_space<hbm>> -> memref<1x64xi32, #tpu.memory_space<hbm>>
      %dma_wait3A_145 = tpu.memref_squeeze %dma_wait3A_144 : memref<1x64xi32, #tpu.memory_space<hbm>> -> memref<64xi32, #tpu.memory_space<hbm>>
      %dma_wait3A_146 = arith.constant 0 : i32
      %dma_wait3A_147 = tpu.memref_slice %arg9[%add3A, %dma_wait3A_146] : memref<32x64xi32, #tpu.memory_space<hbm>> -> memref<1x64xi32, #tpu.memory_space<hbm>>
      %dma_wait3A_148 = tpu.memref_squeeze %dma_wait3A_147 : memref<1x64xi32, #tpu.memory_space<hbm>> -> memref<64xi32, #tpu.memory_space<hbm>>
      %dma_wait3A_149 = arith.constant 0 : i32
      %dma_wait3A_150 = tpu.memref_slice %arg21[%dma_wait3A_149] : memref<5120xi32, #tpu.memory_space<vmem>> -> memref<64xi32, #tpu.memory_space<vmem>>
      tpu.wait_dma2 semaphore(%run_scoped3A : memref<!tpu.dma_semaphore, #tpu.memory_space<semaphore_mem>>) src(%dma_wait3A_150 : memref<64xi32, #tpu.memory_space<vmem>>) dst(%dma_wait3A_148 : memref<64xi32, #tpu.memory_space<hbm>>)
      tpu.yield
    }) : () -> ()
    "tpu.region"() ({
      %run_scoped3A = tpu.sem_alloc : memref<!tpu.dma_semaphore, #tpu.memory_space<semaphore_mem>>
      %dma_start3A_131 = arith.constant 0 : i32
      %dma_start3A_132 = tpu.memref_slice %arg22[%dma_start3A_131] : memref<5120xi32, #tpu.memory_space<vmem>> -> memref<64xi32, #tpu.memory_space<vmem>>
      %dma_start3A_133 = arith.constant 0 : i32
      %dma_start3A_134 = tpu.memref_slice %arg10[%add3A, %dma_start3A_133] : memref<32x64xi32, #tpu.memory_space<hbm>> -> memref<1x64xi32, #tpu.memory_space<hbm>>
      %dma_start3A_135 = tpu.memref_squeeze %dma_start3A_134 : memref<1x64xi32, #tpu.memory_space<hbm>> -> memref<64xi32, #tpu.memory_space<hbm>>
      %dma_start3A_136 = arith.constant 0 : i32
      %dma_start3A_137 = tpu.memref_slice %arg10[%add3A, %dma_start3A_136] : memref<32x64xi32, #tpu.memory_space<hbm>> -> memref<1x64xi32, #tpu.memory_space<hbm>>
      %dma_start3A_138 = tpu.memref_squeeze %dma_start3A_137 : memref<1x64xi32, #tpu.memory_space<hbm>> -> memref<64xi32, #tpu.memory_space<hbm>>
      %dma_start3A_139 = arith.constant 0 : i32
      %dma_start3A_140 = tpu.memref_slice %arg22[%dma_start3A_139] : memref<5120xi32, #tpu.memory_space<vmem>> -> memref<64xi32, #tpu.memory_space<vmem>>
      tpu.enqueue_dma source(%dma_start3A_140 : memref<64xi32, #tpu.memory_space<vmem>>) target(%dma_start3A_138 : memref<64xi32, #tpu.memory_space<hbm>>) target_semaphore(%run_scoped3A : memref<!tpu.dma_semaphore, #tpu.memory_space<semaphore_mem>>)
      %dma_wait3A_141 = arith.constant 0 : i32
      %dma_wait3A_142 = tpu.memref_slice %arg22[%dma_wait3A_141] : memref<5120xi32, #tpu.memory_space<vmem>> -> memref<64xi32, #tpu.memory_space<vmem>>
      %dma_wait3A_143 = arith.constant 0 : i32
      %dma_wait3A_144 = tpu.memref_slice %arg10[%add3A, %dma_wait3A_143] : memref<32x64xi32, #tpu.memory_space<hbm>> -> memref<1x64xi32, #tpu.memory_space<hbm>>
      %dma_wait3A_145 = tpu.memref_squeeze %dma_wait3A_144 : memref<1x64xi32, #tpu.memory_space<hbm>> -> memref<64xi32, #tpu.memory_space<hbm>>
      %dma_wait3A_146 = arith.constant 0 : i32
      %dma_wait3A_147 = tpu.memref_slice %arg10[%add3A, %dma_wait3A_146] : memref<32x64xi32, #tpu.memory_space<hbm>> -> memref<1x64xi32, #tpu.memory_space<hbm>>
      %dma_wait3A_148 = tpu.memref_squeeze %dma_wait3A_147 : memref<1x64xi32, #tpu.memory_space<hbm>> -> memref<64xi32, #tpu.memory_space<hbm>>
      %dma_wait3A_149 = arith.constant 0 : i32
      %dma_wait3A_150 = tpu.memref_slice %arg22[%dma_wait3A_149] : memref<5120xi32, #tpu.memory_space<vmem>> -> memref<64xi32, #tpu.memory_space<vmem>>
      tpu.wait_dma2 semaphore(%run_scoped3A : memref<!tpu.dma_semaphore, #tpu.memory_space<semaphore_mem>>) src(%dma_wait3A_150 : memref<64xi32, #tpu.memory_space<vmem>>) dst(%dma_wait3A_148 : memref<64xi32, #tpu.memory_space<hbm>>)
      tpu.yield
    }) : () -> ()
    "tpu.region"() ({
      %run_scoped3A = tpu.sem_alloc : memref<!tpu.dma_semaphore, #tpu.memory_space<semaphore_mem>>
      %dma_start3A_131 = arith.constant 0 : i32
      %dma_start3A_132 = tpu.memref_slice %arg23[%dma_start3A_131] : memref<5120xf32, #tpu.memory_space<vmem>> -> memref<64xf32, #tpu.memory_space<vmem>>
      %dma_start3A_133 = arith.constant 0 : i32
      %dma_start3A_134 = tpu.memref_slice %arg11[%add3A, %dma_start3A_133] : memref<32x64xf32, #tpu.memory_space<hbm>> -> memref<1x64xf32, #tpu.memory_space<hbm>>
      %dma_start3A_135 = tpu.memref_squeeze %dma_start3A_134 : memref<1x64xf32, #tpu.memory_space<hbm>> -> memref<64xf32, #tpu.memory_space<hbm>>
      %dma_start3A_136 = arith.constant 0 : i32
      %dma_start3A_137 = tpu.memref_slice %arg11[%add3A, %dma_start3A_136] : memref<32x64xf32, #tpu.memory_space<hbm>> -> memref<1x64xf32, #tpu.memory_space<hbm>>
      %dma_start3A_138 = tpu.memref_squeeze %dma_start3A_137 : memref<1x64xf32, #tpu.memory_space<hbm>> -> memref<64xf32, #tpu.memory_space<hbm>>
      %dma_start3A_139 = arith.constant 0 : i32
      %dma_start3A_140 = tpu.memref_slice %arg23[%dma_start3A_139] : memref<5120xf32, #tpu.memory_space<vmem>> -> memref<64xf32, #tpu.memory_space<vmem>>
      tpu.enqueue_dma source(%dma_start3A_140 : memref<64xf32, #tpu.memory_space<vmem>>) target(%dma_start3A_138 : memref<64xf32, #tpu.memory_space<hbm>>) target_semaphore(%run_scoped3A : memref<!tpu.dma_semaphore, #tpu.memory_space<semaphore_mem>>)
      %dma_wait3A_141 = arith.constant 0 : i32
      %dma_wait3A_142 = tpu.memref_slice %arg23[%dma_wait3A_141] : memref<5120xf32, #tpu.memory_space<vmem>> -> memref<64xf32, #tpu.memory_space<vmem>>
      %dma_wait3A_143 = arith.constant 0 : i32
      %dma_wait3A_144 = tpu.memref_slice %arg11[%add3A, %dma_wait3A_143] : memref<32x64xf32, #tpu.memory_space<hbm>> -> memref<1x64xf32, #tpu.memory_space<hbm>>
      %dma_wait3A_145 = tpu.memref_squeeze %dma_wait3A_144 : memref<1x64xf32, #tpu.memory_space<hbm>> -> memref<64xf32, #tpu.memory_space<hbm>>
      %dma_wait3A_146 = arith.constant 0 : i32
      %dma_wait3A_147 = tpu.memref_slice %arg11[%add3A, %dma_wait3A_146] : memref<32x64xf32, #tpu.memory_space<hbm>> -> memref<1x64xf32, #tpu.memory_space<hbm>>
      %dma_wait3A_148 = tpu.memref_squeeze %dma_wait3A_147 : memref<1x64xf32, #tpu.memory_space<hbm>> -> memref<64xf32, #tpu.memory_space<hbm>>
      %dma_wait3A_149 = arith.constant 0 : i32
      %dma_wait3A_150 = tpu.memref_slice %arg23[%dma_wait3A_149] : memref<5120xf32, #tpu.memory_space<vmem>> -> memref<64xf32, #tpu.memory_space<vmem>>
      tpu.wait_dma2 semaphore(%run_scoped3A : memref<!tpu.dma_semaphore, #tpu.memory_space<semaphore_mem>>) src(%dma_wait3A_150 : memref<64xf32, #tpu.memory_space<vmem>>) dst(%dma_wait3A_148 : memref<64xf32, #tpu.memory_space<hbm>>)
      tpu.yield
    }) : () -> ()
    %sub3A_93 = arith.constant 64 : i32
    %sub3A_94 = arith.subi %squeeze3A_86, %sub3A_93 : i32
    %max3A = arith.constant 0 : i32
    %max3A_95 = arith.maxsi %sub3A_94, %max3A : i32
    %add3A_96 = arith.constant 512 : i32
    %add3A_97 = arith.addi %max3A_95, %add3A_96 : i32
    %sub3A_98 = arith.constant 1 : i32
    %sub3A_99 = arith.subi %add3A_97, %sub3A_98 : i32
    %jit3A_100 = arith.constant 512 : i32
    %div3A = arith.divsi %sub3A_99, %jit3A_100 : i32
    %sign3A = arith.constant 0 : i32
    %sign3A_101 = arith.cmpi sgt, %sub3A_99, %sign3A : i32
    %sign3A_102 = arith.extui %sign3A_101 : i1 to i32
    %sign3A_103 = arith.constant 0 : i32
    %sign3A_104 = arith.cmpi slt, %sub3A_99, %sign3A_103 : i32
    %sign3A_105 = arith.extui %sign3A_104 : i1 to i32
    %sign3A_106 = arith.subi %sign3A_102, %sign3A_105 : i32
    %sign3A_107 = arith.constant 0 : i32
    %sign3A_108 = arith.cmpi sgt, %jit3A_100, %sign3A_107 : i32
    %sign3A_109 = arith.extui %sign3A_108 : i1 to i32
    %sign3A_110 = arith.constant 0 : i32
    %sign3A_111 = arith.cmpi slt, %jit3A_100, %sign3A_110 : i32
    %sign3A_112 = arith.extui %sign3A_111 : i1 to i32
    %sign3A_113 = arith.subi %sign3A_109, %sign3A_112 : i32
    %ne3A = arith.cmpi ne, %sign3A_106, %sign3A_113 : i32
    %rem3A = arith.remsi %sub3A_99, %jit3A_100 : i32
    %ne3A_114 = arith.constant 0 : i32
    %ne3A_115 = arith.cmpi ne, %rem3A, %ne3A_114 : i32
    %and3A_116 = arith.andi %ne3A, %ne3A_115 : i1
    %sub3A_117 = arith.constant 1 : i32
    %sub3A_118 = arith.subi %div3A, %sub3A_117 : i32
    %select_n3A_119 = arith.select %and3A_116, %sub3A_118, %div3A : i32
    %while3A = arith.constant 0 : i32
    %while3A_120 = arith.constant 0 : i32
    %while3A_121 = arith.subi %select_n3A_119, %while3A : i32
    %while3A_122 = arith.addi %while3A, %while3A_121 : i32
    %while3A_123 = arith.constant 1 : i32
    %while3A_124 = arith.divsi %while3A_121, %while3A_123 : i32
    %while3A_125 = arith.muli %while3A_124, %while3A_123 : i32
    %while3A_126 = arith.addi %while3A, %while3A_125 : i32
    %while3A_127 = arith.constant 1 : i32
    %while3A_128 = scf.for %while3A_131 = %while3A to %while3A_126 step %while3A_127 iter_args(%while3A_132 = %while3A_120) -> (i32)  : i32 {
      %mul3A_133 = arith.constant 512 : i32
      %mul3A_134 = arith.muli %while3A_131, %mul3A_133 : i32
      "tpu.region"() ({
        %run_scoped3A = tpu.sem_alloc : memref<!tpu.dma_semaphore, #tpu.memory_space<semaphore_mem>>
        %dma_start3A_136 = tpu.memref_slice %arg21[%mul3A_134] : memref<5120xi32, #tpu.memory_space<vmem>> -> memref<512xi32, #tpu.memory_space<vmem>>
        %dma_start3A_137 = tpu.memref_slice %arg12[%add3A, %mul3A_134] : memref<32x5120xi32, #tpu.memory_space<hbm>> -> memref<1x512xi32, #tpu.memory_space<hbm>>
        %dma_start3A_138 = tpu.memref_squeeze %dma_start3A_137 : memref<1x512xi32, #tpu.memory_space<hbm>> -> memref<512xi32, #tpu.memory_space<hbm>>
        %dma_start3A_139 = tpu.memref_slice %arg12[%add3A, %mul3A_134] : memref<32x5120xi32, #tpu.memory_space<hbm>> -> memref<1x512xi32, #tpu.memory_space<hbm>>
        %dma_start3A_140 = tpu.memref_squeeze %dma_start3A_139 : memref<1x512xi32, #tpu.memory_space<hbm>> -> memref<512xi32, #tpu.memory_space<hbm>>
        %dma_start3A_141 = tpu.memref_slice %arg21[%mul3A_134] : memref<5120xi32, #tpu.memory_space<vmem>> -> memref<512xi32, #tpu.memory_space<vmem>>
        tpu.enqueue_dma source(%dma_start3A_141 : memref<512xi32, #tpu.memory_space<vmem>>) target(%dma_start3A_140 : memref<512xi32, #tpu.memory_space<hbm>>) target_semaphore(%run_scoped3A : memref<!tpu.dma_semaphore, #tpu.memory_space<semaphore_mem>>)
        %dma_wait3A_142 = tpu.memref_slice %arg21[%mul3A_134] : memref<5120xi32, #tpu.memory_space<vmem>> -> memref<512xi32, #tpu.memory_space<vmem>>
        %dma_wait3A_143 = tpu.memref_slice %arg12[%add3A, %mul3A_134] : memref<32x5120xi32, #tpu.memory_space<hbm>> -> memref<1x512xi32, #tpu.memory_space<hbm>>
        %dma_wait3A_144 = tpu.memref_squeeze %dma_wait3A_143 : memref<1x512xi32, #tpu.memory_space<hbm>> -> memref<512xi32, #tpu.memory_space<hbm>>
        %dma_wait3A_145 = tpu.memref_slice %arg12[%add3A, %mul3A_134] : memref<32x5120xi32, #tpu.memory_space<hbm>> -> memref<1x512xi32, #tpu.memory_space<hbm>>
        %dma_wait3A_146 = tpu.memref_squeeze %dma_wait3A_145 : memref<1x512xi32, #tpu.memory_space<hbm>> -> memref<512xi32, #tpu.memory_space<hbm>>
        %dma_wait3A_147 = tpu.memref_slice %arg21[%mul3A_134] : memref<5120xi32, #tpu.memory_space<vmem>> -> memref<512xi32, #tpu.memory_space<vmem>>
        tpu.wait_dma2 semaphore(%run_scoped3A : memref<!tpu.dma_semaphore, #tpu.memory_space<semaphore_mem>>) src(%dma_wait3A_147 : memref<512xi32, #tpu.memory_space<vmem>>) dst(%dma_wait3A_146 : memref<512xi32, #tpu.memory_space<hbm>>)
        tpu.yield
      }) : () -> ()
      "tpu.region"() ({
        %run_scoped3A = tpu.sem_alloc : memref<!tpu.dma_semaphore, #tpu.memory_space<semaphore_mem>>
        %dma_start3A_136 = tpu.memref_slice %arg22[%mul3A_134] : memref<5120xi32, #tpu.memory_space<vmem>> -> memref<512xi32, #tpu.memory_space<vmem>>
        %dma_start3A_137 = tpu.memref_slice %arg13[%add3A, %mul3A_134] : memref<32x5120xi32, #tpu.memory_space<hbm>> -> memref<1x512xi32, #tpu.memory_space<hbm>>
        %dma_start3A_138 = tpu.memref_squeeze %dma_start3A_137 : memref<1x512xi32, #tpu.memory_space<hbm>> -> memref<512xi32, #tpu.memory_space<hbm>>
        %dma_start3A_139 = tpu.memref_slice %arg13[%add3A, %mul3A_134] : memref<32x5120xi32, #tpu.memory_space<hbm>> -> memref<1x512xi32, #tpu.memory_space<hbm>>
        %dma_start3A_140 = tpu.memref_squeeze %dma_start3A_139 : memref<1x512xi32, #tpu.memory_space<hbm>> -> memref<512xi32, #tpu.memory_space<hbm>>
        %dma_start3A_141 = tpu.memref_slice %arg22[%mul3A_134] : memref<5120xi32, #tpu.memory_space<vmem>> -> memref<512xi32, #tpu.memory_space<vmem>>
        tpu.enqueue_dma source(%dma_start3A_141 : memref<512xi32, #tpu.memory_space<vmem>>) target(%dma_start3A_140 : memref<512xi32, #tpu.memory_space<hbm>>) target_semaphore(%run_scoped3A : memref<!tpu.dma_semaphore, #tpu.memory_space<semaphore_mem>>)
        %dma_wait3A_142 = tpu.memref_slice %arg22[%mul3A_134] : memref<5120xi32, #tpu.memory_space<vmem>> -> memref<512xi32, #tpu.memory_space<vmem>>
        %dma_wait3A_143 = tpu.memref_slice %arg13[%add3A, %mul3A_134] : memref<32x5120xi32, #tpu.memory_space<hbm>> -> memref<1x512xi32, #tpu.memory_space<hbm>>
        %dma_wait3A_144 = tpu.memref_squeeze %dma_wait3A_143 : memref<1x512xi32, #tpu.memory_space<hbm>> -> memref<512xi32, #tpu.memory_space<hbm>>
        %dma_wait3A_145 = tpu.memref_slice %arg13[%add3A, %mul3A_134] : memref<32x5120xi32, #tpu.memory_space<hbm>> -> memref<1x512xi32, #tpu.memory_space<hbm>>
        %dma_wait3A_146 = tpu.memref_squeeze %dma_wait3A_145 : memref<1x512xi32, #tpu.memory_space<hbm>> -> memref<512xi32, #tpu.memory_space<hbm>>
        %dma_wait3A_147 = tpu.memref_slice %arg22[%mul3A_134] : memref<5120xi32, #tpu.memory_space<vmem>> -> memref<512xi32, #tpu.memory_space<vmem>>
        tpu.wait_dma2 semaphore(%run_scoped3A : memref<!tpu.dma_semaphore, #tpu.memory_space<semaphore_mem>>) src(%dma_wait3A_147 : memref<512xi32, #tpu.memory_space<vmem>>) dst(%dma_wait3A_146 : memref<512xi32, #tpu.memory_space<hbm>>)
        tpu.yield
      }) : () -> ()
      "tpu.region"() ({
        %run_scoped3A = tpu.sem_alloc : memref<!tpu.dma_semaphore, #tpu.memory_space<semaphore_mem>>
        %dma_start3A_136 = tpu.memref_slice %arg23[%mul3A_134] : memref<5120xf32, #tpu.memory_space<vmem>> -> memref<512xf32, #tpu.memory_space<vmem>>
        %dma_start3A_137 = tpu.memref_slice %arg14[%add3A, %mul3A_134] : memref<32x5120xf32, #tpu.memory_space<hbm>> -> memref<1x512xf32, #tpu.memory_space<hbm>>
        %dma_start3A_138 = tpu.memref_squeeze %dma_start3A_137 : memref<1x512xf32, #tpu.memory_space<hbm>> -> memref<512xf32, #tpu.memory_space<hbm>>
        %dma_start3A_139 = tpu.memref_slice %arg14[%add3A, %mul3A_134] : memref<32x5120xf32, #tpu.memory_space<hbm>> -> memref<1x512xf32, #tpu.memory_space<hbm>>
        %dma_start3A_140 = tpu.memref_squeeze %dma_start3A_139 : memref<1x512xf32, #tpu.memory_space<hbm>> -> memref<512xf32, #tpu.memory_space<hbm>>
        %dma_start3A_141 = tpu.memref_slice %arg23[%mul3A_134] : memref<5120xf32, #tpu.memory_space<vmem>> -> memref<512xf32, #tpu.memory_space<vmem>>
        tpu.enqueue_dma source(%dma_start3A_141 : memref<512xf32, #tpu.memory_space<vmem>>) target(%dma_start3A_140 : memref<512xf32, #tpu.memory_space<hbm>>) target_semaphore(%run_scoped3A : memref<!tpu.dma_semaphore, #tpu.memory_space<semaphore_mem>>)
        %dma_wait3A_142 = tpu.memref_slice %arg23[%mul3A_134] : memref<5120xf32, #tpu.memory_space<vmem>> -> memref<512xf32, #tpu.memory_space<vmem>>
        %dma_wait3A_143 = tpu.memref_slice %arg14[%add3A, %mul3A_134] : memref<32x5120xf32, #tpu.memory_space<hbm>> -> memref<1x512xf32, #tpu.memory_space<hbm>>
        %dma_wait3A_144 = tpu.memref_squeeze %dma_wait3A_143 : memref<1x512xf32, #tpu.memory_space<hbm>> -> memref<512xf32, #tpu.memory_space<hbm>>
        %dma_wait3A_145 = tpu.memref_slice %arg14[%add3A, %mul3A_134] : memref<32x5120xf32, #tpu.memory_space<hbm>> -> memref<1x512xf32, #tpu.memory_space<hbm>>
        %dma_wait3A_146 = tpu.memref_squeeze %dma_wait3A_145 : memref<1x512xf32, #tpu.memory_space<hbm>> -> memref<512xf32, #tpu.memory_space<hbm>>
        %dma_wait3A_147 = tpu.memref_slice %arg23[%mul3A_134] : memref<5120xf32, #tpu.memory_space<vmem>> -> memref<512xf32, #tpu.memory_space<vmem>>
        tpu.wait_dma2 semaphore(%run_scoped3A : memref<!tpu.dma_semaphore, #tpu.memory_space<semaphore_mem>>) src(%dma_wait3A_147 : memref<512xf32, #tpu.memory_space<vmem>>) dst(%dma_wait3A_146 : memref<512xf32, #tpu.memory_space<hbm>>)
        tpu.yield
      }) : () -> ()
      %while3A_135 = arith.constant 0 : i32
      scf.yield %while3A_135 : i32
    }
    %while3A_129 = arith.constant 1 : i32
    %while3A_130 = scf.for %while3A_131 = %while3A_126 to %while3A_122 step %while3A_129 iter_args(%while3A_132 = %while3A_128) -> (i32)  : i32 {
      %mul3A_133 = arith.constant 512 : i32
      %mul3A_134 = arith.muli %while3A_131, %mul3A_133 : i32
      "tpu.region"() ({
        %run_scoped3A = tpu.sem_alloc : memref<!tpu.dma_semaphore, #tpu.memory_space<semaphore_mem>>
        %dma_start3A_136 = tpu.memref_slice %arg21[%mul3A_134] : memref<5120xi32, #tpu.memory_space<vmem>> -> memref<512xi32, #tpu.memory_space<vmem>>
        %dma_start3A_137 = tpu.memref_slice %arg12[%add3A, %mul3A_134] : memref<32x5120xi32, #tpu.memory_space<hbm>> -> memref<1x512xi32, #tpu.memory_space<hbm>>
        %dma_start3A_138 = tpu.memref_squeeze %dma_start3A_137 : memref<1x512xi32, #tpu.memory_space<hbm>> -> memref<512xi32, #tpu.memory_space<hbm>>
        %dma_start3A_139 = tpu.memref_slice %arg12[%add3A, %mul3A_134] : memref<32x5120xi32, #tpu.memory_space<hbm>> -> memref<1x512xi32, #tpu.memory_space<hbm>>
        %dma_start3A_140 = tpu.memref_squeeze %dma_start3A_139 : memref<1x512xi32, #tpu.memory_space<hbm>> -> memref<512xi32, #tpu.memory_space<hbm>>
        %dma_start3A_141 = tpu.memref_slice %arg21[%mul3A_134] : memref<5120xi32, #tpu.memory_space<vmem>> -> memref<512xi32, #tpu.memory_space<vmem>>
        tpu.enqueue_dma source(%dma_start3A_141 : memref<512xi32, #tpu.memory_space<vmem>>) target(%dma_start3A_140 : memref<512xi32, #tpu.memory_space<hbm>>) target_semaphore(%run_scoped3A : memref<!tpu.dma_semaphore, #tpu.memory_space<semaphore_mem>>)
        %dma_wait3A_142 = tpu.memref_slice %arg21[%mul3A_134] : memref<5120xi32, #tpu.memory_space<vmem>> -> memref<512xi32, #tpu.memory_space<vmem>>
        %dma_wait3A_143 = tpu.memref_slice %arg12[%add3A, %mul3A_134] : memref<32x5120xi32, #tpu.memory_space<hbm>> -> memref<1x512xi32, #tpu.memory_space<hbm>>
        %dma_wait3A_144 = tpu.memref_squeeze %dma_wait3A_143 : memref<1x512xi32, #tpu.memory_space<hbm>> -> memref<512xi32, #tpu.memory_space<hbm>>
        %dma_wait3A_145 = tpu.memref_slice %arg12[%add3A, %mul3A_134] : memref<32x5120xi32, #tpu.memory_space<hbm>> -> memref<1x512xi32, #tpu.memory_space<hbm>>
        %dma_wait3A_146 = tpu.memref_squeeze %dma_wait3A_145 : memref<1x512xi32, #tpu.memory_space<hbm>> -> memref<512xi32, #tpu.memory_space<hbm>>
        %dma_wait3A_147 = tpu.memref_slice %arg21[%mul3A_134] : memref<5120xi32, #tpu.memory_space<vmem>> -> memref<512xi32, #tpu.memory_space<vmem>>
        tpu.wait_dma2 semaphore(%run_scoped3A : memref<!tpu.dma_semaphore, #tpu.memory_space<semaphore_mem>>) src(%dma_wait3A_147 : memref<512xi32, #tpu.memory_space<vmem>>) dst(%dma_wait3A_146 : memref<512xi32, #tpu.memory_space<hbm>>)
        tpu.yield
      }) : () -> ()
      "tpu.region"() ({
        %run_scoped3A = tpu.sem_alloc : memref<!tpu.dma_semaphore, #tpu.memory_space<semaphore_mem>>
        %dma_start3A_136 = tpu.memref_slice %arg22[%mul3A_134] : memref<5120xi32, #tpu.memory_space<vmem>> -> memref<512xi32, #tpu.memory_space<vmem>>
        %dma_start3A_137 = tpu.memref_slice %arg13[%add3A, %mul3A_134] : memref<32x5120xi32, #tpu.memory_space<hbm>> -> memref<1x512xi32, #tpu.memory_space<hbm>>
        %dma_start3A_138 = tpu.memref_squeeze %dma_start3A_137 : memref<1x512xi32, #tpu.memory_space<hbm>> -> memref<512xi32, #tpu.memory_space<hbm>>
        %dma_start3A_139 = tpu.memref_slice %arg13[%add3A, %mul3A_134] : memref<32x5120xi32, #tpu.memory_space<hbm>> -> memref<1x512xi32, #tpu.memory_space<hbm>>
        %dma_start3A_140 = tpu.memref_squeeze %dma_start3A_139 : memref<1x512xi32, #tpu.memory_space<hbm>> -> memref<512xi32, #tpu.memory_space<hbm>>
        %dma_start3A_141 = tpu.memref_slice %arg22[%mul3A_134] : memref<5120xi32, #tpu.memory_space<vmem>> -> memref<512xi32, #tpu.memory_space<vmem>>
        tpu.enqueue_dma source(%dma_start3A_141 : memref<512xi32, #tpu.memory_space<vmem>>) target(%dma_start3A_140 : memref<512xi32, #tpu.memory_space<hbm>>) target_semaphore(%run_scoped3A : memref<!tpu.dma_semaphore, #tpu.memory_space<semaphore_mem>>)
        %dma_wait3A_142 = tpu.memref_slice %arg22[%mul3A_134] : memref<5120xi32, #tpu.memory_space<vmem>> -> memref<512xi32, #tpu.memory_space<vmem>>
        %dma_wait3A_143 = tpu.memref_slice %arg13[%add3A, %mul3A_134] : memref<32x5120xi32, #tpu.memory_space<hbm>> -> memref<1x512xi32, #tpu.memory_space<hbm>>
        %dma_wait3A_144 = tpu.memref_squeeze %dma_wait3A_143 : memref<1x512xi32, #tpu.memory_space<hbm>> -> memref<512xi32, #tpu.memory_space<hbm>>
        %dma_wait3A_145 = tpu.memref_slice %arg13[%add3A, %mul3A_134] : memref<32x5120xi32, #tpu.memory_space<hbm>> -> memref<1x512xi32, #tpu.memory_space<hbm>>
        %dma_wait3A_146 = tpu.memref_squeeze %dma_wait3A_145 : memref<1x512xi32, #tpu.memory_space<hbm>> -> memref<512xi32, #tpu.memory_space<hbm>>
        %dma_wait3A_147 = tpu.memref_slice %arg22[%mul3A_134] : memref<5120xi32, #tpu.memory_space<vmem>> -> memref<512xi32, #tpu.memory_space<vmem>>
        tpu.wait_dma2 semaphore(%run_scoped3A : memref<!tpu.dma_semaphore, #tpu.memory_space<semaphore_mem>>) src(%dma_wait3A_147 : memref<512xi32, #tpu.memory_space<vmem>>) dst(%dma_wait3A_146 : memref<512xi32, #tpu.memory_space<hbm>>)
        tpu.yield
      }) : () -> ()
      "tpu.region"() ({
        %run_scoped3A = tpu.sem_alloc : memref<!tpu.dma_semaphore, #tpu.memory_space<semaphore_mem>>
        %dma_start3A_136 = tpu.memref_slice %arg23[%mul3A_134] : memref<5120xf32, #tpu.memory_space<vmem>> -> memref<512xf32, #tpu.memory_space<vmem>>
        %dma_start3A_137 = tpu.memref_slice %arg14[%add3A, %mul3A_134] : memref<32x5120xf32, #tpu.memory_space<hbm>> -> memref<1x512xf32, #tpu.memory_space<hbm>>
        %dma_start3A_138 = tpu.memref_squeeze %dma_start3A_137 : memref<1x512xf32, #tpu.memory_space<hbm>> -> memref<512xf32, #tpu.memory_space<hbm>>
        %dma_start3A_139 = tpu.memref_slice %arg14[%add3A, %mul3A_134] : memref<32x5120xf32, #tpu.memory_space<hbm>> -> memref<1x512xf32, #tpu.memory_space<hbm>>
        %dma_start3A_140 = tpu.memref_squeeze %dma_start3A_139 : memref<1x512xf32, #tpu.memory_space<hbm>> -> memref<512xf32, #tpu.memory_space<hbm>>
        %dma_start3A_141 = tpu.memref_slice %arg23[%mul3A_134] : memref<5120xf32, #tpu.memory_space<vmem>> -> memref<512xf32, #tpu.memory_space<vmem>>
        tpu.enqueue_dma source(%dma_start3A_141 : memref<512xf32, #tpu.memory_space<vmem>>) target(%dma_start3A_140 : memref<512xf32, #tpu.memory_space<hbm>>) target_semaphore(%run_scoped3A : memref<!tpu.dma_semaphore, #tpu.memory_space<semaphore_mem>>)
        %dma_wait3A_142 = tpu.memref_slice %arg23[%mul3A_134] : memref<5120xf32, #tpu.memory_space<vmem>> -> memref<512xf32, #tpu.memory_space<vmem>>
        %dma_wait3A_143 = tpu.memref_slice %arg14[%add3A, %mul3A_134] : memref<32x5120xf32, #tpu.memory_space<hbm>> -> memref<1x512xf32, #tpu.memory_space<hbm>>
        %dma_wait3A_144 = tpu.memref_squeeze %dma_wait3A_143 : memref<1x512xf32, #tpu.memory_space<hbm>> -> memref<512xf32, #tpu.memory_space<hbm>>
        %dma_wait3A_145 = tpu.memref_slice %arg14[%add3A, %mul3A_134] : memref<32x5120xf32, #tpu.memory_space<hbm>> -> memref<1x512xf32, #tpu.memory_space<hbm>>
        %dma_wait3A_146 = tpu.memref_squeeze %dma_wait3A_145 : memref<1x512xf32, #tpu.memory_space<hbm>> -> memref<512xf32, #tpu.memory_space<hbm>>
        %dma_wait3A_147 = tpu.memref_slice %arg23[%mul3A_134] : memref<5120xf32, #tpu.memory_space<vmem>> -> memref<512xf32, #tpu.memory_space<vmem>>
        tpu.wait_dma2 semaphore(%run_scoped3A : memref<!tpu.dma_semaphore, #tpu.memory_space<semaphore_mem>>) src(%dma_wait3A_147 : memref<512xf32, #tpu.memory_space<vmem>>) dst(%dma_wait3A_146 : memref<512xf32, #tpu.memory_space<hbm>>)
        tpu.yield
      }) : () -> ()
      %while3A_135 = arith.constant 0 : i32
      scf.yield %while3A_135 : i32
    }
    return
  }
}

module attributes {stable_mosaic.version = 14 : i64} {
  func.func @_tc_round_body(%arg0: memref<32x16xi32, #tpu.memory_space<smem>>, %arg1: memref<32x64xi32, #tpu.memory_space<smem>>, %arg2: memref<32x64xi32, #tpu.memory_space<smem>>, %arg3: memref<32x64xf32, #tpu.memory_space<smem>>, %arg4: memref<1xi32, #tpu.memory_space<smem>>, %arg5: memref<10000x256xf32, #tpu.memory_space<any>>, %arg6: memref<256x256xf32, #tpu.memory_space<vmem>>, %arg7: memref<256xf32, #tpu.memory_space<vmem>>, %arg8: memref<1x1xf32, #tpu.memory_space<vmem>>, %arg9: memref<10000x256xf32, #tpu.memory_space<vmem>>, %arg10: memref<1xi32, #tpu.memory_space<smem>>, %arg11: memref<2048x256xf32, #tpu.memory_space<vmem>>, %arg12: memref<2048xi32, #tpu.memory_space<smem>>, %arg13: memref<2048xf32, #tpu.memory_space<smem>>, %arg14: memref<!tpu.dma_semaphore, #tpu.memory_space<semaphore_mem>>) attributes {dimension_semantics = [], scalar_prefetch = 0 : i64, scratch_operands = 4 : i64, tpu.core_type = #tpu.core_type<tc>} {
    %get3A = arith.constant 0 : index
    %get3A_0 = memref.load %arg4[%get3A] : memref<1xi32, #tpu.memory_space<smem>>
    %scan3A = arith.constant 0 : i32
    %scan3A_1 = arith.constant 0 : i32
    %scan3A_2 = arith.constant 32 : i32
    %scan3A_3 = arith.addi %scan3A_1, %scan3A_2 : i32
    %scan3A_4 = arith.constant 1 : i32
    %scan3A_5 = scf.for %scan3A_45 = %scan3A_1 to %scan3A_3 step %scan3A_4 iter_args(%scan3A_46 = %scan3A) -> (i32)  : i32 {
      %get3A_47 = arith.index_cast %scan3A_45 : i32 to index
      %get3A_48 = arith.constant 0 : index
      %get3A_49 = memref.load %arg0[%get3A_47, %get3A_48] : memref<32x16xi32, #tpu.memory_space<smem>>
      %sub3A = arith.subi %get3A_49, %get3A_0 : i32
      %jit3A = arith.constant 0 : i32
      %jit3A_50 = arith.constant 64 : i32
      %max3A = arith.maxsi %jit3A, %sub3A : i32
      %min3A = arith.minsi %jit3A_50, %max3A : i32
      %while3A_51 = arith.constant 0 : i32
      %while3A_52 = arith.subi %min3A, %while3A_51 : i32
      %while3A_53 = arith.addi %while3A_51, %while3A_52 : i32
      %while3A_54 = arith.constant 1 : i32
      %while3A_55 = arith.divsi %while3A_52, %while3A_54 : i32
      %while3A_56 = arith.muli %while3A_55, %while3A_54 : i32
      %while3A_57 = arith.addi %while3A_51, %while3A_56 : i32
      %while3A_58 = arith.constant 1 : i32
      %while3A_59 = scf.for %while3A_62 = %while3A_51 to %while3A_57 step %while3A_58 iter_args(%while3A_63 = %scan3A_46) -> (i32)  : i32 {
        %get3A_64 = arith.index_cast %scan3A_45 : i32 to index
        %get3A_65 = arith.index_cast %while3A_62 : i32 to index
        %get3A_66 = memref.load %arg2[%get3A_64, %get3A_65] : memref<32x64xi32, #tpu.memory_space<smem>>
        %dma_start3A = arith.constant 0 : i32
        %dma_start3A_67 = tpu.memref_slice %arg11[%while3A_63, %dma_start3A] : memref<2048x256xf32, #tpu.memory_space<vmem>> -> memref<1x256xf32, #tpu.memory_space<vmem>>
        %dma_start3A_68 = arith.constant 0 : i32
        %dma_start3A_69 = tpu.memref_slice %arg5[%get3A_66, %dma_start3A_68] : memref<10000x256xf32, #tpu.memory_space<any>> -> memref<1x256xf32, #tpu.memory_space<any>>
        tpu.enqueue_dma source(%dma_start3A_69 : memref<1x256xf32, #tpu.memory_space<any>>) target(%dma_start3A_67 : memref<1x256xf32, #tpu.memory_space<vmem>>) target_semaphore(%arg14 : memref<!tpu.dma_semaphore, #tpu.memory_space<semaphore_mem>>)
        %get3A_70 = arith.index_cast %scan3A_45 : i32 to index
        %get3A_71 = arith.index_cast %while3A_62 : i32 to index
        %get3A_72 = memref.load %arg1[%get3A_70, %get3A_71] : memref<32x64xi32, #tpu.memory_space<smem>>
        %swap3A_73 = arith.index_cast %while3A_63 : i32 to index
        %swap3A_74 = memref.load %arg12[%swap3A_73] : memref<2048xi32, #tpu.memory_space<smem>>
        memref.store %get3A_72, %arg12[%swap3A_73] : memref<2048xi32, #tpu.memory_space<smem>>
        %get3A_75 = arith.index_cast %scan3A_45 : i32 to index
        %get3A_76 = arith.index_cast %while3A_62 : i32 to index
        %get3A_77 = memref.load %arg3[%get3A_75, %get3A_76] : memref<32x64xf32, #tpu.memory_space<smem>>
        %swap3A_78 = arith.index_cast %while3A_63 : i32 to index
        %swap3A_79 = memref.load %arg13[%swap3A_78] : memref<2048xf32, #tpu.memory_space<smem>>
        memref.store %get3A_77, %arg13[%swap3A_78] : memref<2048xf32, #tpu.memory_space<smem>>
        %add3A = arith.constant 1 : i32
        %add3A_80 = arith.addi %while3A_63, %add3A : i32
        scf.yield %add3A_80 : i32
      }
      %while3A_60 = arith.constant 1 : i32
      %while3A_61 = scf.for %while3A_62 = %while3A_57 to %while3A_53 step %while3A_60 iter_args(%while3A_63 = %while3A_59) -> (i32)  : i32 {
        %get3A_64 = arith.index_cast %scan3A_45 : i32 to index
        %get3A_65 = arith.index_cast %while3A_62 : i32 to index
        %get3A_66 = memref.load %arg2[%get3A_64, %get3A_65] : memref<32x64xi32, #tpu.memory_space<smem>>
        %dma_start3A = arith.constant 0 : i32
        %dma_start3A_67 = tpu.memref_slice %arg11[%while3A_63, %dma_start3A] : memref<2048x256xf32, #tpu.memory_space<vmem>> -> memref<1x256xf32, #tpu.memory_space<vmem>>
        %dma_start3A_68 = arith.constant 0 : i32
        %dma_start3A_69 = tpu.memref_slice %arg5[%get3A_66, %dma_start3A_68] : memref<10000x256xf32, #tpu.memory_space<any>> -> memref<1x256xf32, #tpu.memory_space<any>>
        tpu.enqueue_dma source(%dma_start3A_69 : memref<1x256xf32, #tpu.memory_space<any>>) target(%dma_start3A_67 : memref<1x256xf32, #tpu.memory_space<vmem>>) target_semaphore(%arg14 : memref<!tpu.dma_semaphore, #tpu.memory_space<semaphore_mem>>)
        %get3A_70 = arith.index_cast %scan3A_45 : i32 to index
        %get3A_71 = arith.index_cast %while3A_62 : i32 to index
        %get3A_72 = memref.load %arg1[%get3A_70, %get3A_71] : memref<32x64xi32, #tpu.memory_space<smem>>
        %swap3A_73 = arith.index_cast %while3A_63 : i32 to index
        %swap3A_74 = memref.load %arg12[%swap3A_73] : memref<2048xi32, #tpu.memory_space<smem>>
        memref.store %get3A_72, %arg12[%swap3A_73] : memref<2048xi32, #tpu.memory_space<smem>>
        %get3A_75 = arith.index_cast %scan3A_45 : i32 to index
        %get3A_76 = arith.index_cast %while3A_62 : i32 to index
        %get3A_77 = memref.load %arg3[%get3A_75, %get3A_76] : memref<32x64xf32, #tpu.memory_space<smem>>
        %swap3A_78 = arith.index_cast %while3A_63 : i32 to index
        %swap3A_79 = memref.load %arg13[%swap3A_78] : memref<2048xf32, #tpu.memory_space<smem>>
        memref.store %get3A_77, %arg13[%swap3A_78] : memref<2048xf32, #tpu.memory_space<smem>>
        %add3A = arith.constant 1 : i32
        %add3A_80 = arith.addi %while3A_63, %add3A : i32
        scf.yield %add3A_80 : i32
      }
      scf.yield %while3A_61 : i32
    }
    %scan3A_6 = arith.constant 32 : i32
    %scan3A_7 = arith.constant 0 : i32
    %scan3A_8 = arith.constant 0 : i32
    %scan3A_9 = arith.constant 32 : i32
    %scan3A_10 = arith.addi %scan3A_8, %scan3A_9 : i32
    %scan3A_11 = arith.constant 1 : i32
    %scan3A_12 = scf.for %scan3A_45 = %scan3A_8 to %scan3A_10 step %scan3A_11 iter_args(%scan3A_46 = %scan3A_7) -> (i32)  : i32 {
      %get3A_47 = arith.index_cast %scan3A_45 : i32 to index
      %get3A_48 = arith.constant 0 : index
      %get3A_49 = memref.load %arg0[%get3A_47, %get3A_48] : memref<32x16xi32, #tpu.memory_space<smem>>
      %sub3A = arith.subi %get3A_49, %get3A_0 : i32
      %gt3A = arith.constant 64 : i32
      %gt3A_50 = arith.cmpi sgt, %sub3A, %gt3A : i32
      %convert_element_type3A = arith.extui %gt3A_50 : i1 to i32
      %or3A = arith.ori %scan3A_46, %convert_element_type3A : i32
      scf.yield %or3A : i32
    }
    %scan3A_13 = arith.constant 32 : i32
    %swap3A = arith.constant 0 : index
    %swap3A_14 = memref.load %arg10[%swap3A] : memref<1xi32, #tpu.memory_space<smem>>
    memref.store %scan3A_12, %arg10[%swap3A] : memref<1xi32, #tpu.memory_space<smem>>
    %get3A_15 = arith.constant 0 : index
    %get3A_16 = vector.load %arg7[%get3A_15] : memref<256xf32, #tpu.memory_space<vmem>>, vector<256xf32>
    %broadcast_in_dim3A = vector.shape_cast %get3A_16 : vector<256xf32> to vector<1x256xf32>
    %broadcast_in_dim3A_17 = vector.shape_cast %broadcast_in_dim3A : vector<1x256xf32> to vector<1x256xf32>
    %broadcast_in_dim3A_18 = vector.broadcast %broadcast_in_dim3A_17 : vector<1x256xf32> to vector<10000x256xf32>
    %swap3A_19 = arith.constant 0 : index
    %swap3A_20 = arith.constant 0 : index
    %swap3A_21 = vector.load %arg9[%swap3A_19, %swap3A_20] : memref<10000x256xf32, #tpu.memory_space<vmem>>, vector<10000x256xf32>
    tpu.vector_store %arg9[%swap3A_19, %swap3A_20], %broadcast_in_dim3A_18 {strides = array<i32>} : memref<10000x256xf32, #tpu.memory_space<vmem>>, vector<10000x256xf32>,
    %while3A = arith.constant 0 : i32
    %while3A_22 = arith.constant 0 : i32
    %while3A_23 = arith.subi %scan3A_5, %while3A : i32
    %while3A_24 = arith.addi %while3A, %while3A_23 : i32
    %while3A_25 = arith.constant 1 : i32
    %while3A_26 = arith.divsi %while3A_23, %while3A_25 : i32
    %while3A_27 = arith.muli %while3A_26, %while3A_25 : i32
    %while3A_28 = arith.addi %while3A, %while3A_27 : i32
    %while3A_29 = arith.constant 1 : i32
    %while3A_30 = scf.for %while3A_45 = %while3A to %while3A_28 step %while3A_29 iter_args(%while3A_46 = %while3A_22) -> (i32)  : i32 {
      %dma_wait3A = arith.constant 0 : i32
      %dma_wait3A_47 = tpu.memref_slice %arg11[%while3A_45, %dma_wait3A] : memref<2048x256xf32, #tpu.memory_space<vmem>> -> memref<1x256xf32, #tpu.memory_space<vmem>>
      %dma_wait3A_48 = arith.constant 0 : i32
      %dma_wait3A_49 = arith.constant 0 : i32
      %dma_wait3A_50 = tpu.memref_slice %arg5[%dma_wait3A_48, %dma_wait3A_49] : memref<10000x256xf32, #tpu.memory_space<any>> -> memref<1x256xf32, #tpu.memory_space<any>>
      tpu.wait_dma2 semaphore(%arg14 : memref<!tpu.dma_semaphore, #tpu.memory_space<semaphore_mem>>) src(%dma_wait3A_50 : memref<1x256xf32, #tpu.memory_space<any>>) dst(%dma_wait3A_47 : memref<1x256xf32, #tpu.memory_space<vmem>>)
      %while3A_51 = arith.constant 0 : i32
      scf.yield %while3A_51 : i32
    }
    %while3A_31 = arith.constant 1 : i32
    %while3A_32 = scf.for %while3A_45 = %while3A_28 to %while3A_24 step %while3A_31 iter_args(%while3A_46 = %while3A_30) -> (i32)  : i32 {
      %dma_wait3A = arith.constant 0 : i32
      %dma_wait3A_47 = tpu.memref_slice %arg11[%while3A_45, %dma_wait3A] : memref<2048x256xf32, #tpu.memory_space<vmem>> -> memref<1x256xf32, #tpu.memory_space<vmem>>
      %dma_wait3A_48 = arith.constant 0 : i32
      %dma_wait3A_49 = arith.constant 0 : i32
      %dma_wait3A_50 = tpu.memref_slice %arg5[%dma_wait3A_48, %dma_wait3A_49] : memref<10000x256xf32, #tpu.memory_space<any>> -> memref<1x256xf32, #tpu.memory_space<any>>
      tpu.wait_dma2 semaphore(%arg14 : memref<!tpu.dma_semaphore, #tpu.memory_space<semaphore_mem>>) src(%dma_wait3A_50 : memref<1x256xf32, #tpu.memory_space<any>>) dst(%dma_wait3A_47 : memref<1x256xf32, #tpu.memory_space<vmem>>)
      %while3A_51 = arith.constant 0 : i32
      scf.yield %while3A_51 : i32
    }
    %while3A_33 = arith.constant 0 : i32
    %while3A_34 = arith.constant 0 : i32
    %while3A_35 = arith.subi %scan3A_5, %while3A_33 : i32
    %while3A_36 = arith.addi %while3A_33, %while3A_35 : i32
    %while3A_37 = arith.constant 1 : i32
    %while3A_38 = arith.divsi %while3A_35, %while3A_37 : i32
    %while3A_39 = arith.muli %while3A_38, %while3A_37 : i32
    %while3A_40 = arith.addi %while3A_33, %while3A_39 : i32
    %while3A_41 = arith.constant 1 : i32
    %while3A_42 = scf.for %while3A_45 = %while3A_33 to %while3A_40 step %while3A_41 iter_args(%while3A_46 = %while3A_34) -> (i32)  : i32 {
      %get3A_47 = arith.index_cast %while3A_45 : i32 to index
      %get3A_48 = arith.constant 0 : index
      %get3A_49 = vector.load %arg11[%get3A_47, %get3A_48] : memref<2048x256xf32, #tpu.memory_space<vmem>>, vector<1x256xf32>
      %get3A_50 = arith.constant 0 : index
      %get3A_51 = arith.constant 0 : index
      %get3A_52 = vector.load %arg6[%get3A_50, %get3A_51] : memref<256x256xf32, #tpu.memory_space<vmem>>, vector<256x256xf32>
      %dot_general3A = arith.constant dense<0.000000e+00> : vector<1x256xf32>
      %dot_general3A_53 = tpu.matmul %get3A_49, %get3A_52, %dot_general3A {dimension_numbers = #tpu.dot_dimension_numbers<[1], [0], [0], [1], [0, 0, 1, 1], [], []>, precision = #tpu.contract_precision<fp32>, transpose_lhs_hint = false} : vector<1x256xf32>, vector<256x256xf32>, vector<1x256xf32> -> vector<1x256xf32>
      %get3A_54 = arith.index_cast %while3A_45 : i32 to index
      %get3A_55 = memref.load %arg12[%get3A_54] : memref<2048xi32, #tpu.memory_space<smem>>
      %get3A_56 = arith.index_cast %get3A_55 : i32 to index
      %get3A_57 = arith.constant 0 : index
      %get3A_58 = vector.load %arg9[%get3A_56, %get3A_57] : memref<10000x256xf32, #tpu.memory_space<vmem>>, vector<1x256xf32>
      %get3A_59 = arith.index_cast %while3A_45 : i32 to index
      %get3A_60 = memref.load %arg13[%get3A_59] : memref<2048xf32, #tpu.memory_space<smem>>
      %mul3A = vector.broadcast %get3A_60 : f32 to vector<1x256xf32>
      %mul3A_61 = arith.mulf %mul3A, %dot_general3A_53 : vector<1x256xf32>
      %add3A = arith.addf %get3A_58, %mul3A_61 : vector<1x256xf32>
      %swap3A_62 = arith.index_cast %get3A_55 : i32 to index
      %swap3A_63 = arith.constant 0 : index
      %swap3A_64 = vector.load %arg9[%swap3A_62, %swap3A_63] : memref<10000x256xf32, #tpu.memory_space<vmem>>, vector<1x256xf32>
      tpu.vector_store %arg9[%swap3A_62, %swap3A_63], %add3A {strides = array<i32>} : memref<10000x256xf32, #tpu.memory_space<vmem>>, vector<1x256xf32>,
      %while3A_65 = arith.constant 0 : i32
      scf.yield %while3A_65 : i32
    }
    %while3A_43 = arith.constant 1 : i32
    %while3A_44 = scf.for %while3A_45 = %while3A_40 to %while3A_36 step %while3A_43 iter_args(%while3A_46 = %while3A_42) -> (i32)  : i32 {
      %get3A_47 = arith.index_cast %while3A_45 : i32 to index
      %get3A_48 = arith.constant 0 : index
      %get3A_49 = vector.load %arg11[%get3A_47, %get3A_48] : memref<2048x256xf32, #tpu.memory_space<vmem>>, vector<1x256xf32>
      %get3A_50 = arith.constant 0 : index
      %get3A_51 = arith.constant 0 : index
      %get3A_52 = vector.load %arg6[%get3A_50, %get3A_51] : memref<256x256xf32, #tpu.memory_space<vmem>>, vector<256x256xf32>
      %dot_general3A = arith.constant dense<0.000000e+00> : vector<1x256xf32>
      %dot_general3A_53 = tpu.matmul %get3A_49, %get3A_52, %dot_general3A {dimension_numbers = #tpu.dot_dimension_numbers<[1], [0], [0], [1], [0, 0, 1, 1], [], []>, precision = #tpu.contract_precision<fp32>, transpose_lhs_hint = false} : vector<1x256xf32>, vector<256x256xf32>, vector<1x256xf32> -> vector<1x256xf32>
      %get3A_54 = arith.index_cast %while3A_45 : i32 to index
      %get3A_55 = memref.load %arg12[%get3A_54] : memref<2048xi32, #tpu.memory_space<smem>>
      %get3A_56 = arith.index_cast %get3A_55 : i32 to index
      %get3A_57 = arith.constant 0 : index
      %get3A_58 = vector.load %arg9[%get3A_56, %get3A_57] : memref<10000x256xf32, #tpu.memory_space<vmem>>, vector<1x256xf32>
      %get3A_59 = arith.index_cast %while3A_45 : i32 to index
      %get3A_60 = memref.load %arg13[%get3A_59] : memref<2048xf32, #tpu.memory_space<smem>>
      %mul3A = vector.broadcast %get3A_60 : f32 to vector<1x256xf32>
      %mul3A_61 = arith.mulf %mul3A, %dot_general3A_53 : vector<1x256xf32>
      %add3A = arith.addf %get3A_58, %mul3A_61 : vector<1x256xf32>
      %swap3A_62 = arith.index_cast %get3A_55 : i32 to index
      %swap3A_63 = arith.constant 0 : index
      %swap3A_64 = vector.load %arg9[%swap3A_62, %swap3A_63] : memref<10000x256xf32, #tpu.memory_space<vmem>>, vector<1x256xf32>
      tpu.vector_store %arg9[%swap3A_62, %swap3A_63], %add3A {strides = array<i32>} : memref<10000x256xf32, #tpu.memory_space<vmem>>, vector<1x256xf32>,
      %while3A_65 = arith.constant 0 : i32
      scf.yield %while3A_65 : i32
    }
    return
  }
}

module attributes {stable_mosaic.version = 14 : i64} {
  func.func @_tc_round_body(%arg0: memref<32x16xi32, #tpu.memory_space<smem>>, %arg1: memref<32x64xi32, #tpu.memory_space<smem>>, %arg2: memref<32x64xi32, #tpu.memory_space<smem>>, %arg3: memref<32x64xf32, #tpu.memory_space<smem>>, %arg4: memref<1xi32, #tpu.memory_space<smem>>, %arg5: memref<10000x256xf32, #tpu.memory_space<any>>, %arg6: memref<256x256xf32, #tpu.memory_space<vmem>>, %arg7: memref<256xf32, #tpu.memory_space<vmem>>, %arg8: memref<10000x256xf32, #tpu.memory_space<vmem>>, %arg9: memref<10000x256xf32, #tpu.memory_space<vmem>>, %arg10: memref<1xi32, #tpu.memory_space<smem>>, %arg11: memref<2048x256xf32, #tpu.memory_space<vmem>>, %arg12: memref<2048xi32, #tpu.memory_space<smem>>, %arg13: memref<2048xf32, #tpu.memory_space<smem>>, %arg14: memref<!tpu.dma_semaphore, #tpu.memory_space<semaphore_mem>>) attributes {dimension_semantics = [], scalar_prefetch = 0 : i64, scratch_operands = 4 : i64, tpu.core_type = #tpu.core_type<tc>} {
    %get3A = arith.constant 0 : index
    %get3A_0 = memref.load %arg4[%get3A] : memref<1xi32, #tpu.memory_space<smem>>
    %scan3A = arith.constant 0 : i32
    %scan3A_1 = arith.constant 0 : i32
    %scan3A_2 = arith.constant 32 : i32
    %scan3A_3 = arith.addi %scan3A_1, %scan3A_2 : i32
    %scan3A_4 = arith.constant 1 : i32
    %scan3A_5 = scf.for %scan3A_44 = %scan3A_1 to %scan3A_3 step %scan3A_4 iter_args(%scan3A_45 = %scan3A) -> (i32)  : i32 {
      %get3A_46 = arith.index_cast %scan3A_44 : i32 to index
      %get3A_47 = arith.constant 0 : index
      %get3A_48 = memref.load %arg0[%get3A_46, %get3A_47] : memref<32x16xi32, #tpu.memory_space<smem>>
      %sub3A = arith.subi %get3A_48, %get3A_0 : i32
      %jit3A = arith.constant 0 : i32
      %jit3A_49 = arith.constant 64 : i32
      %max3A = arith.maxsi %jit3A, %sub3A : i32
      %min3A = arith.minsi %jit3A_49, %max3A : i32
      %while3A_50 = arith.constant 0 : i32
      %while3A_51 = arith.subi %min3A, %while3A_50 : i32
      %while3A_52 = arith.addi %while3A_50, %while3A_51 : i32
      %while3A_53 = arith.constant 1 : i32
      %while3A_54 = arith.divsi %while3A_51, %while3A_53 : i32
      %while3A_55 = arith.muli %while3A_54, %while3A_53 : i32
      %while3A_56 = arith.addi %while3A_50, %while3A_55 : i32
      %while3A_57 = arith.constant 1 : i32
      %while3A_58 = scf.for %while3A_61 = %while3A_50 to %while3A_56 step %while3A_57 iter_args(%while3A_62 = %scan3A_45) -> (i32)  : i32 {
        %get3A_63 = arith.index_cast %scan3A_44 : i32 to index
        %get3A_64 = arith.index_cast %while3A_61 : i32 to index
        %get3A_65 = memref.load %arg2[%get3A_63, %get3A_64] : memref<32x64xi32, #tpu.memory_space<smem>>
        %dma_start3A = arith.constant 0 : i32
        %dma_start3A_66 = tpu.memref_slice %arg11[%while3A_62, %dma_start3A] : memref<2048x256xf32, #tpu.memory_space<vmem>> -> memref<1x256xf32, #tpu.memory_space<vmem>>
        %dma_start3A_67 = arith.constant 0 : i32
        %dma_start3A_68 = tpu.memref_slice %arg5[%get3A_65, %dma_start3A_67] : memref<10000x256xf32, #tpu.memory_space<any>> -> memref<1x256xf32, #tpu.memory_space<any>>
        tpu.enqueue_dma source(%dma_start3A_68 : memref<1x256xf32, #tpu.memory_space<any>>) target(%dma_start3A_66 : memref<1x256xf32, #tpu.memory_space<vmem>>) target_semaphore(%arg14 : memref<!tpu.dma_semaphore, #tpu.memory_space<semaphore_mem>>)
        %get3A_69 = arith.index_cast %scan3A_44 : i32 to index
        %get3A_70 = arith.index_cast %while3A_61 : i32 to index
        %get3A_71 = memref.load %arg1[%get3A_69, %get3A_70] : memref<32x64xi32, #tpu.memory_space<smem>>
        %swap3A_72 = arith.index_cast %while3A_62 : i32 to index
        %swap3A_73 = memref.load %arg12[%swap3A_72] : memref<2048xi32, #tpu.memory_space<smem>>
        memref.store %get3A_71, %arg12[%swap3A_72] : memref<2048xi32, #tpu.memory_space<smem>>
        %get3A_74 = arith.index_cast %scan3A_44 : i32 to index
        %get3A_75 = arith.index_cast %while3A_61 : i32 to index
        %get3A_76 = memref.load %arg3[%get3A_74, %get3A_75] : memref<32x64xf32, #tpu.memory_space<smem>>
        %swap3A_77 = arith.index_cast %while3A_62 : i32 to index
        %swap3A_78 = memref.load %arg13[%swap3A_77] : memref<2048xf32, #tpu.memory_space<smem>>
        memref.store %get3A_76, %arg13[%swap3A_77] : memref<2048xf32, #tpu.memory_space<smem>>
        %add3A = arith.constant 1 : i32
        %add3A_79 = arith.addi %while3A_62, %add3A : i32
        scf.yield %add3A_79 : i32
      }
      %while3A_59 = arith.constant 1 : i32
      %while3A_60 = scf.for %while3A_61 = %while3A_56 to %while3A_52 step %while3A_59 iter_args(%while3A_62 = %while3A_58) -> (i32)  : i32 {
        %get3A_63 = arith.index_cast %scan3A_44 : i32 to index
        %get3A_64 = arith.index_cast %while3A_61 : i32 to index
        %get3A_65 = memref.load %arg2[%get3A_63, %get3A_64] : memref<32x64xi32, #tpu.memory_space<smem>>
        %dma_start3A = arith.constant 0 : i32
        %dma_start3A_66 = tpu.memref_slice %arg11[%while3A_62, %dma_start3A] : memref<2048x256xf32, #tpu.memory_space<vmem>> -> memref<1x256xf32, #tpu.memory_space<vmem>>
        %dma_start3A_67 = arith.constant 0 : i32
        %dma_start3A_68 = tpu.memref_slice %arg5[%get3A_65, %dma_start3A_67] : memref<10000x256xf32, #tpu.memory_space<any>> -> memref<1x256xf32, #tpu.memory_space<any>>
        tpu.enqueue_dma source(%dma_start3A_68 : memref<1x256xf32, #tpu.memory_space<any>>) target(%dma_start3A_66 : memref<1x256xf32, #tpu.memory_space<vmem>>) target_semaphore(%arg14 : memref<!tpu.dma_semaphore, #tpu.memory_space<semaphore_mem>>)
        %get3A_69 = arith.index_cast %scan3A_44 : i32 to index
        %get3A_70 = arith.index_cast %while3A_61 : i32 to index
        %get3A_71 = memref.load %arg1[%get3A_69, %get3A_70] : memref<32x64xi32, #tpu.memory_space<smem>>
        %swap3A_72 = arith.index_cast %while3A_62 : i32 to index
        %swap3A_73 = memref.load %arg12[%swap3A_72] : memref<2048xi32, #tpu.memory_space<smem>>
        memref.store %get3A_71, %arg12[%swap3A_72] : memref<2048xi32, #tpu.memory_space<smem>>
        %get3A_74 = arith.index_cast %scan3A_44 : i32 to index
        %get3A_75 = arith.index_cast %while3A_61 : i32 to index
        %get3A_76 = memref.load %arg3[%get3A_74, %get3A_75] : memref<32x64xf32, #tpu.memory_space<smem>>
        %swap3A_77 = arith.index_cast %while3A_62 : i32 to index
        %swap3A_78 = memref.load %arg13[%swap3A_77] : memref<2048xf32, #tpu.memory_space<smem>>
        memref.store %get3A_76, %arg13[%swap3A_77] : memref<2048xf32, #tpu.memory_space<smem>>
        %add3A = arith.constant 1 : i32
        %add3A_79 = arith.addi %while3A_62, %add3A : i32
        scf.yield %add3A_79 : i32
      }
      scf.yield %while3A_60 : i32
    }
    %scan3A_6 = arith.constant 32 : i32
    %scan3A_7 = arith.constant 0 : i32
    %scan3A_8 = arith.constant 0 : i32
    %scan3A_9 = arith.constant 32 : i32
    %scan3A_10 = arith.addi %scan3A_8, %scan3A_9 : i32
    %scan3A_11 = arith.constant 1 : i32
    %scan3A_12 = scf.for %scan3A_44 = %scan3A_8 to %scan3A_10 step %scan3A_11 iter_args(%scan3A_45 = %scan3A_7) -> (i32)  : i32 {
      %get3A_46 = arith.index_cast %scan3A_44 : i32 to index
      %get3A_47 = arith.constant 0 : index
      %get3A_48 = memref.load %arg0[%get3A_46, %get3A_47] : memref<32x16xi32, #tpu.memory_space<smem>>
      %sub3A = arith.subi %get3A_48, %get3A_0 : i32
      %gt3A = arith.constant 64 : i32
      %gt3A_49 = arith.cmpi sgt, %sub3A, %gt3A : i32
      %convert_element_type3A = arith.extui %gt3A_49 : i1 to i32
      %or3A = arith.ori %scan3A_45, %convert_element_type3A : i32
      scf.yield %or3A : i32
    }
    %scan3A_13 = arith.constant 32 : i32
    %swap3A = arith.constant 0 : index
    %swap3A_14 = memref.load %arg10[%swap3A] : memref<1xi32, #tpu.memory_space<smem>>
    memref.store %scan3A_12, %arg10[%swap3A] : memref<1xi32, #tpu.memory_space<smem>>
    %get3A_15 = arith.constant 0 : index
    %get3A_16 = arith.constant 0 : index
    %get3A_17 = vector.load %arg8[%get3A_15, %get3A_16] : memref<10000x256xf32, #tpu.memory_space<vmem>>, vector<10000x256xf32>
    %swap3A_18 = arith.constant 0 : index
    %swap3A_19 = arith.constant 0 : index
    %swap3A_20 = vector.load %arg9[%swap3A_18, %swap3A_19] : memref<10000x256xf32, #tpu.memory_space<vmem>>, vector<10000x256xf32>
    tpu.vector_store %arg9[%swap3A_18, %swap3A_19], %get3A_17 {strides = array<i32>} : memref<10000x256xf32, #tpu.memory_space<vmem>>, vector<10000x256xf32>,
    %while3A = arith.constant 0 : i32
    %while3A_21 = arith.constant 0 : i32
    %while3A_22 = arith.subi %scan3A_5, %while3A : i32
    %while3A_23 = arith.addi %while3A, %while3A_22 : i32
    %while3A_24 = arith.constant 1 : i32
    %while3A_25 = arith.divsi %while3A_22, %while3A_24 : i32
    %while3A_26 = arith.muli %while3A_25, %while3A_24 : i32
    %while3A_27 = arith.addi %while3A, %while3A_26 : i32
    %while3A_28 = arith.constant 1 : i32
    %while3A_29 = scf.for %while3A_44 = %while3A to %while3A_27 step %while3A_28 iter_args(%while3A_45 = %while3A_21) -> (i32)  : i32 {
      %dma_wait3A = arith.constant 0 : i32
      %dma_wait3A_46 = tpu.memref_slice %arg11[%while3A_44, %dma_wait3A] : memref<2048x256xf32, #tpu.memory_space<vmem>> -> memref<1x256xf32, #tpu.memory_space<vmem>>
      %dma_wait3A_47 = arith.constant 0 : i32
      %dma_wait3A_48 = arith.constant 0 : i32
      %dma_wait3A_49 = tpu.memref_slice %arg5[%dma_wait3A_47, %dma_wait3A_48] : memref<10000x256xf32, #tpu.memory_space<any>> -> memref<1x256xf32, #tpu.memory_space<any>>
      tpu.wait_dma2 semaphore(%arg14 : memref<!tpu.dma_semaphore, #tpu.memory_space<semaphore_mem>>) src(%dma_wait3A_49 : memref<1x256xf32, #tpu.memory_space<any>>) dst(%dma_wait3A_46 : memref<1x256xf32, #tpu.memory_space<vmem>>)
      %while3A_50 = arith.constant 0 : i32
      scf.yield %while3A_50 : i32
    }
    %while3A_30 = arith.constant 1 : i32
    %while3A_31 = scf.for %while3A_44 = %while3A_27 to %while3A_23 step %while3A_30 iter_args(%while3A_45 = %while3A_29) -> (i32)  : i32 {
      %dma_wait3A = arith.constant 0 : i32
      %dma_wait3A_46 = tpu.memref_slice %arg11[%while3A_44, %dma_wait3A] : memref<2048x256xf32, #tpu.memory_space<vmem>> -> memref<1x256xf32, #tpu.memory_space<vmem>>
      %dma_wait3A_47 = arith.constant 0 : i32
      %dma_wait3A_48 = arith.constant 0 : i32
      %dma_wait3A_49 = tpu.memref_slice %arg5[%dma_wait3A_47, %dma_wait3A_48] : memref<10000x256xf32, #tpu.memory_space<any>> -> memref<1x256xf32, #tpu.memory_space<any>>
      tpu.wait_dma2 semaphore(%arg14 : memref<!tpu.dma_semaphore, #tpu.memory_space<semaphore_mem>>) src(%dma_wait3A_49 : memref<1x256xf32, #tpu.memory_space<any>>) dst(%dma_wait3A_46 : memref<1x256xf32, #tpu.memory_space<vmem>>)
      %while3A_50 = arith.constant 0 : i32
      scf.yield %while3A_50 : i32
    }
    %while3A_32 = arith.constant 0 : i32
    %while3A_33 = arith.constant 0 : i32
    %while3A_34 = arith.subi %scan3A_5, %while3A_32 : i32
    %while3A_35 = arith.addi %while3A_32, %while3A_34 : i32
    %while3A_36 = arith.constant 1 : i32
    %while3A_37 = arith.divsi %while3A_34, %while3A_36 : i32
    %while3A_38 = arith.muli %while3A_37, %while3A_36 : i32
    %while3A_39 = arith.addi %while3A_32, %while3A_38 : i32
    %while3A_40 = arith.constant 1 : i32
    %while3A_41 = scf.for %while3A_44 = %while3A_32 to %while3A_39 step %while3A_40 iter_args(%while3A_45 = %while3A_33) -> (i32)  : i32 {
      %get3A_46 = arith.index_cast %while3A_44 : i32 to index
      %get3A_47 = arith.constant 0 : index
      %get3A_48 = vector.load %arg11[%get3A_46, %get3A_47] : memref<2048x256xf32, #tpu.memory_space<vmem>>, vector<1x256xf32>
      %get3A_49 = arith.constant 0 : index
      %get3A_50 = arith.constant 0 : index
      %get3A_51 = vector.load %arg6[%get3A_49, %get3A_50] : memref<256x256xf32, #tpu.memory_space<vmem>>, vector<256x256xf32>
      %dot_general3A = arith.constant dense<0.000000e+00> : vector<1x256xf32>
      %dot_general3A_52 = tpu.matmul %get3A_48, %get3A_51, %dot_general3A {dimension_numbers = #tpu.dot_dimension_numbers<[1], [0], [0], [1], [0, 0, 1, 1], [], []>, precision = #tpu.contract_precision<fp32>, transpose_lhs_hint = false} : vector<1x256xf32>, vector<256x256xf32>, vector<1x256xf32> -> vector<1x256xf32>
      %get3A_53 = arith.index_cast %while3A_44 : i32 to index
      %get3A_54 = memref.load %arg12[%get3A_53] : memref<2048xi32, #tpu.memory_space<smem>>
      %get3A_55 = arith.index_cast %get3A_54 : i32 to index
      %get3A_56 = arith.constant 0 : index
      %get3A_57 = vector.load %arg9[%get3A_55, %get3A_56] : memref<10000x256xf32, #tpu.memory_space<vmem>>, vector<1x256xf32>
      %get3A_58 = arith.index_cast %while3A_44 : i32 to index
      %get3A_59 = memref.load %arg13[%get3A_58] : memref<2048xf32, #tpu.memory_space<smem>>
      %mul3A = vector.broadcast %get3A_59 : f32 to vector<1x256xf32>
      %mul3A_60 = arith.mulf %mul3A, %dot_general3A_52 : vector<1x256xf32>
      %add3A = arith.addf %get3A_57, %mul3A_60 : vector<1x256xf32>
      %swap3A_61 = arith.index_cast %get3A_54 : i32 to index
      %swap3A_62 = arith.constant 0 : index
      %swap3A_63 = vector.load %arg9[%swap3A_61, %swap3A_62] : memref<10000x256xf32, #tpu.memory_space<vmem>>, vector<1x256xf32>
      tpu.vector_store %arg9[%swap3A_61, %swap3A_62], %add3A {strides = array<i32>} : memref<10000x256xf32, #tpu.memory_space<vmem>>, vector<1x256xf32>,
      %while3A_64 = arith.constant 0 : i32
      scf.yield %while3A_64 : i32
    }
    %while3A_42 = arith.constant 1 : i32
    %while3A_43 = scf.for %while3A_44 = %while3A_39 to %while3A_35 step %while3A_42 iter_args(%while3A_45 = %while3A_41) -> (i32)  : i32 {
      %get3A_46 = arith.index_cast %while3A_44 : i32 to index
      %get3A_47 = arith.constant 0 : index
      %get3A_48 = vector.load %arg11[%get3A_46, %get3A_47] : memref<2048x256xf32, #tpu.memory_space<vmem>>, vector<1x256xf32>
      %get3A_49 = arith.constant 0 : index
      %get3A_50 = arith.constant 0 : index
      %get3A_51 = vector.load %arg6[%get3A_49, %get3A_50] : memref<256x256xf32, #tpu.memory_space<vmem>>, vector<256x256xf32>
      %dot_general3A = arith.constant dense<0.000000e+00> : vector<1x256xf32>
      %dot_general3A_52 = tpu.matmul %get3A_48, %get3A_51, %dot_general3A {dimension_numbers = #tpu.dot_dimension_numbers<[1], [0], [0], [1], [0, 0, 1, 1], [], []>, precision = #tpu.contract_precision<fp32>, transpose_lhs_hint = false} : vector<1x256xf32>, vector<256x256xf32>, vector<1x256xf32> -> vector<1x256xf32>
      %get3A_53 = arith.index_cast %while3A_44 : i32 to index
      %get3A_54 = memref.load %arg12[%get3A_53] : memref<2048xi32, #tpu.memory_space<smem>>
      %get3A_55 = arith.index_cast %get3A_54 : i32 to index
      %get3A_56 = arith.constant 0 : index
      %get3A_57 = vector.load %arg9[%get3A_55, %get3A_56] : memref<10000x256xf32, #tpu.memory_space<vmem>>, vector<1x256xf32>
      %get3A_58 = arith.index_cast %while3A_44 : i32 to index
      %get3A_59 = memref.load %arg13[%get3A_58] : memref<2048xf32, #tpu.memory_space<smem>>
      %mul3A = vector.broadcast %get3A_59 : f32 to vector<1x256xf32>
      %mul3A_60 = arith.mulf %mul3A, %dot_general3A_52 : vector<1x256xf32>
      %add3A = arith.addf %get3A_57, %mul3A_60 : vector<1x256xf32>
      %swap3A_61 = arith.index_cast %get3A_54 : i32 to index
      %swap3A_62 = arith.constant 0 : index
      %swap3A_63 = vector.load %arg9[%swap3A_61, %swap3A_62] : memref<10000x256xf32, #tpu.memory_space<vmem>>, vector<1x256xf32>
      tpu.vector_store %arg9[%swap3A_61, %swap3A_62], %add3A {strides = array<i32>} : memref<10000x256xf32, #tpu.memory_space<vmem>>, vector<1x256xf32>,
      %while3A_64 = arith.constant 0 : i32
      scf.yield %while3A_64 : i32
    }
    return
  }
}

</mosaic_0001>

<sc_bundles>
// kernel: kernel.4.cloned.1.call-start
scs
__scs_entry_jumppad:
0x0: {  	(pc) =	sbr.rel $0x88, $3  }
0x1: {  	(tag) =	ssettag $0x0;
	lr =	simm.s32 $0x1  }
0x2: {  	[smem:$0x3F9B] =	sst lr;
	_ =	strace $0xD0000000  }
0x3: {  	_ = 	snop  }
0x4: {  	_ = 	snop  }
0x5: {  	_ = 	snop  }
0x6: {  	_ = 	snop  }
0x7: {  	_ = 	snop  }
__scs_overlays_trampoline_lowered:
0x8: {  	[smem:$0x3FAA] =	sst s0  }
0x9: {  	[smem:$0x3FAB] =	sst s1  }
0xa: {  	[smem:$0x3FAC] =	sst s2  }
0xb: {  	[smem:$0x3FAD] =	sst s3  }
0xc: {  	[smem:$0x3FAE] =	sst s4  }
0xd: {  	[smem:$0x3FAF] =	sst s5  }
0xe: {  	[smem:$0x3FB0] =	sst s6  }
0xf: {  	[smem:$0x3FB1] =	sst s7  }
0x10: {  	[smem:$0x3FB2] =	sst s8  }
0x11: {  	[smem:$0x3FB3] =	sst s9;
	s0 =	simm.s32 @!p0 $0x0  }
0x12: {  	s1 =	sld [smem:$0x3F99];
	s0 =	simm.s32 @p0 $0x1  }
0x13: {  	[smem:$0x3FB4] =	sst s0;
	s0 =	simm.s32 @!p1 $0x0  }
0x14: {  	s2 =	sld [smem:$0x3F98];
	s0 =	simm.s32 @p1 $0x1  }
0x15: {  	[smem:$0x3FB5] =	sst s0;
	s0 =	simm.s32 @!p2 $0x0  }
0x16: {  	s3 =	sld [smem:$0x3FDB];
	s0 =	simm.s32 @p2 $0x1  }
0x17: {  	s4 =	simm.s32 $0x1BF5;
	[smem:$0x3FB7] =	sst s0  }
0x18: {  	s0 =	sld [smem:$0x3F9A];
	_ =	swait.ge [sflag:s4], $0x0  }
0x19: {  	s7 =	sld [smem:$0x3F9B]  }
0x1a: {  	s8 =	sadd.s32 $0xFFFFE003, lr  }
0x1b: {  	s9 =	sadd.s32 $0xFFFFFEF7, lr;
	s5 =	simm.s32 $0xFFFFFFFF;
	p2 =	slt.u32 s8, $0xFFFFF086  }
0x1c: {  	p1 =	slt.u32 s9, $0xF7A;
	s5 =	simm.s32 @!p2 $0x0  }
0x1d: {  	s5 =	simm.s32 @p1 $0x1;
	p0 =	seq.s32 s7, s2  }
0x1e: {  	s7 =	smul.u32 @!p0 $0xF7A, s2;
	p2 =	seq.s32 @!p0 s5, $0x0  }
0x1f: {  	s9 =	smul.u32 $0xF7A, s1;
	s8 =	simm.s32 @!p0 $0x1BF5;
	p2 =	por !p2, p0  }
0x20: {  	[sflag:s8] =	ssyncset.s32 @!p0 $0xFFFFF086;
	s6 =	sadd.s32 @!p0 s3, s7;
	s7 =	simm.s32 @!p0 $0x108  }
0x21: {  	s3 =	sadd.s32 s3, s9;
	s6 =	sadd.s32 @!p0 $0x88, s6;
	s7 =	simm.s32 @p2 $0x1082  }
0x22: {  	[simem:s7], [sflag:s8] =	dma.local @!p0 [hbm:s6], $0xF7A  }
0x23: {  	s9 =	sor.u32 $0xD0000000, s2;
	s6 =	simm.s32 $0x108;
	_ =	swait.ge @!p0 [sflag:s8], $0x0  }
0x24: {  	s3 =	sadd.s32 $0x88, s3;
	s6 =	simm.s32 @!p1 $0x1082;
	[sflag:s4] =	ssyncset.s32 $0xFFFFF086  }
0x25: {  	[simem:s6], [sflag:s4] =	dma.local [hbm:s3], $0xF7A  }
0x26: {  	[smem:$0x3F9B] =	sst s1;
	(tag) =	ssettag s2;
	_ =	strace s9  }
0x27: {  	s1 =	sld [smem:$0x3FAB]  }
0x28: {  	s2 =	sld [smem:$0x3FAC]  }
0x29: {  	s4 =	sld [smem:$0x3FAE]  }
0x2a: {  	p0 =	seq.s32 s5, $0x0;
	s5 =	sld [smem:$0x3FAF]  }
0x2b: {  	s6 =	sld [smem:$0x3FB0]  }
0x2c: {  	s7 =	sld [smem:$0x3FB1]  }
0x2d: {  	s3 =	simm.s32 $0x108;
	s8 =	sld [smem:$0x3FB2]  }
0x2e: {  	s3 =	simm.s32 @!p0 $0x1082;
	s9 =	sld [smem:$0x3FB3]  }
0x2f: {  	lr =	sadd.s32 s0, s3;
	s0 =	sld [smem:$0x3FAA]  }
0x30: {  	s3 =	sld [smem:$0x3FAD]  }
0x31: {  	[smem:$0x3FB6] =	sst s10  }
0x32: {  	s10 =	sld [smem:$0x3FB4];
	_ =	sdelay $0x3  }
0x33: {  	p0 =	seq.s32 s10, $0x1;
	s10 =	sld [smem:$0x3FB6];
	_ =	sdelay $0x3  }
0x34: {  	[smem:$0x3FB6] =	sst s10  }
0x35: {  	s10 =	sld [smem:$0x3FB5];
	_ =	sdelay $0x3  }
0x36: {  	p1 =	seq.s32 s10, $0x1;
	s10 =	sld [smem:$0x3FB6];
	_ =	sdelay $0x3  }
0x37: {  	[smem:$0x3FB6] =	sst s10  }
0x38: {  	s10 =	sld [smem:$0x3FB7]  }
0x39: {  	_ = 	snop;
	(pc) =	sbr.ind lr, $3  }
0x3a: {  	_ = 	snop  }
0x3b: {  	_ = 	snop  }
0x3c: {  	p2 =	seq.s32 s10, $0x1;
	s10 =	sld [smem:$0x3FB6]  }
0x3d: {  	_ =	shalt  }
0x3e: {  	_ =	shalt  }
0x3f: {  	_ =	shalt  }
0x40: {  	_ =	shalt  }
0x41: {  	_ =	shalt  }
0x42: {  	_ =	shalt  }
0x43: {  	_ =	shalt  }
0x44: {  	_ =	shalt  }
0x45: {  	_ =	shalt  }
0x46: {  	_ =	shalt  }
0x47: {  	_ =	shalt  }
0x48: {  	_ =	shalt  }
0x49: {  	_ =	shalt  }
0x4a: {  	_ =	shalt  }
0x4b: {  	_ =	shalt  }
0x4c: {  	_ =	shalt  }
0x4d: {  	_ =	shalt  }
0x4e: {  	_ =	shalt  }
0x4f: {  	_ =	shalt  }
0x50: {  	_ =	shalt  }
0x51: {  	_ =	shalt  }
0x52: {  	_ =	shalt  }
0x53: {  	_ =	shalt  }
0x54: {  	_ =	shalt  }
0x55: {  	_ =	shalt  }
0x56: {  	_ =	shalt  }
0x57: {  	_ =	shalt  }
0x58: {  	_ =	shalt  }
0x59: {  	_ =	shalt  }
0x5a: {  	_ =	shalt  }
0x5b: {  	_ =	shalt  }
0x5c: {  	_ =	shalt  }
0x5d: {  	_ =	shalt  }
0x5e: {  	_ =	shalt  }
0x5f: {  	_ =	shalt  }
0x60: {  	_ =	shalt  }
0x61: {  	_ =	shalt  }
0x62: {  	_ =	shalt  }
0x63: {  	_ =	shalt  }
0x64: {  	_ =	shalt  }
0x65: {  	_ =	shalt  }
0x66: {  	_ =	shalt  }
0x67: {  	_ =	shalt  }
0x68: {  	_ =	shalt  }
0x69: {  	_ =	shalt  }
0x6a: {  	_ =	shalt  }
0x6b: {  	_ =	shalt  }
0x6c: {  	_ =	shalt  }
0x6d: {  	_ =	shalt  }
0x6e: {  	_ =	shalt  }
0x6f: {  	_ =	shalt  }
0x70: {  	_ =	shalt  }
0x71: {  	_ =	shalt  }
0x72: {  	_ =	shalt  }
0x73: {  	_ =	shalt  }
0x74: {  	_ =	shalt  }
0x75: {  	_ =	shalt  }
0x76: {  	_ =	shalt  }
0x77: {  	_ =	shalt  }
0x78: {  	_ =	shalt  }
0x79: {  	_ =	shalt  }
0x7a: {  	_ =	shalt  }
0x7b: {  	_ =	shalt  }
0x7c: {  	_ =	shalt  }
0x7d: {  	_ =	shalt  }
0x7e: {  	_ =	shalt  }
0x7f: {  	_ =	shalt  }
0x80: {  	_ =	shalt  }
0x81: {  	_ =	shalt  }
0x82: {  	_ =	shalt  }
0x83: {  	_ =	shalt  }
0x84: {  	_ =	shalt  }
0x85: {  	_ =	shalt  }
0x86: {  	_ =	shalt  }
0x87: {  	_ =	shalt  }
.Lfunc_end0:
.L_simem_size_0:
called_computation_lowered:
.L_overlay_start_0:
0x88: {  	s2 =	sld [smem:$0x3FD9]  }
0x89: {  	s3 =	sld [smem:$0x3FFE];
	_ =	sdelay $0x1  }
0x8a: {  	s1 =	srdreg.scid  }
0x8b: {  	s0 =	sand.u32 $0x1, s1  }
0x8c: {  	s17 =	sshll.u32 s0, $0xA;
	s2 =	sadd.s32 s3, s2  }
0x8d: {  	s2 =	sadd.s32 s2, s17  }
0x8e: {  	[smem:$0x3FC2] =	sst s2  }
0x8f: {  	_ = 	snop  }
0x90: {  	s2 =	sld [smem:$0x3FD0];
	(tm) =	ssettm $0x1  }
0x91: {  	s18 =	sld [smem:$0x3FFB];
	_ =	sdelay $0x3  }
0x92: {  	_ =	strace s18  }
0x93: {  	s3 =	sld [smem:$0x3FFC];
	_ =	sdelay $0x3  }
0x94: {  	_ =	strace s3  }
0x95: {  	s3 =	sld [smem:$0x3FFD];
	_ =	sdelay $0x3  }
0x96: {  	_ =	strace s3  }
0x97: {  	_ =	strace $0x8FFFFFFF  }
0x98: {  	s19 =	sld [smem:$0x3FDB];
	_ =	sdelay $0x1  }
0x99: {  	s4 =	simm.s32 $_scs_section_size  }
0x9a: {  	s5 =	simm.s32 $_size__tile_overlayer_lowered;
	s6 =	simm.s32 $_tile_overlayer_lowered  }
0x9b: {  	s22 =	simm.s32 $0x1BFF;
	s21 =	sshll.u32 s6, $0x1;
	s3 =	sadd.s32 s4, s19  }
0x9c: {  	s7 =	simm.s32 $0x0;
	s20 =	sshll.u32 s5, $0x1;
	s5 =	sadd.s32 s21, s3  }
0x9d: {  	[timem:s7], [sflag:s22] =	dma.local [hbm:s5], s20  }
0x9e: {  	_ =	swait.ge [sflag:s22], s20  }
0x9f: {  	s4 =	ssub.s32 $0x0, s20;
	[sflag:s22] =	ssyncset.done $0x0  }
0xa0: {  	[sflag:s22] =	ssyncadd.s32 s4;
	_ =	sdelay $0x1  }
0xa1: {  	s23 =	simm.s32 $0x1B8B  }
0xa2: {  	_ =	swait.ge [sflag:s23], $0x1  }
0xa3: {  	[sflag:s23] =	ssyncset.done $0x0  }
0xa4: {  	s25 =	simm.s32 $0x1B8E;
	s24 =	sld [smem:$0x3FFE];
	[sflag:s23] =	ssyncadd.s32 $0xFFFFFFFF  }
0xa5: {  	s26 =	simm.s32 $execute0_lowered;
	[smem:$0x3FD2] =	sst s25  }
0xa6: {  	s5 =	sshll.u32 s26, $0x1;
	_ =	strace $0x80000046;
	[dreg:$0x1] =	wrdreg $0xFFFFFFFF  }
0xa7: {  	s28 =	simm.s32 $_size_execute0_lowered;
	s3 =	sadd.s32 s3, s5;
	[dreg:$0x0] =	wrdreg $0x0  }
0xa8: {  	s5 =	sshll.u32 s28, $0x1;
	[dreg:$0x2] =	wrdreg s3  }
0xa9: {  	[dreg:$0x3] =	wrdreg s5  }
0xaa: {  	[dreg:$0x4] =	wrdreg $0xC0  }
0xab: {  	_ =	task [dreg:s7], $0x5FFFF  }
0xac: {  	[dreg:$0x1] =	wrdreg $0xFFFFFFFF  }
0xad: {  	[dreg:$0x0] =	wrdreg $0x60  }
0xae: {  	[dreg:$0x2] =	wrdreg s24  }
0xaf: {  	[dreg:$0x3] =	wrdreg s2  }
0xb0: {  	[dreg:$0x4] =	wrdreg $0x9  }
0xb1: {  	_ =	task.clear_ibuf [dreg:s7], $0x5FFFF;
	_ =	strace $0x90000046  }
0xb2: {  	s29 =	simm.s32 $0x9;
	_ =	strace $0x80000048  }
0xb3: {  	_ =	swait.ge [sflag:s29], $0x1  }
0xb4: {  	[sflag:s29] =	ssyncadd.s32 $0xFFFFFFFF  }
0xb5: {  	_ =	strace $0x90000048  }
0xb6: {  	_ =	sfence  }
0xb7: {  	s30 =	sld [smem:$0x0];
	_ =	sdelay $0x2  }
0xb8: {  	s31 =	sshll.u32 s1, $0xD;
	s1 =	sshrl.u32 s1, $0x2  }
0xb9: {  	s3 =	sand.u32 $0x4000, s31;
	s1 =	sadd.s32 s1, s30  }
0xba: {  	s0 =	sor.u32 s3, s0;
	s1 =	sshll.u32 s1, $0x11  }
0xbb: {  	s0 =	sor.u32 s1, s0  }
0xbc: {  	s0 =	sadd.s32 $0x8F2B, s0  }
0xbd: {  	[sflag:s0] =	ssyncadd.remote.s32 $0x1  }
0xbe: {  	_ =	sfence.sel $0xFFFF  }
0xbf: {  	[dreg:$0x0] =	wrdreg $0xFFFFFFFF;
	(pc) =	sbr.abs _section_cstart, $3  }
0xc0: {  	[dreg:$0x1] =	wrdreg $0xFFFFFFFF  }
0xc1: {  	_ =	task.clear_ibuf [dreg:s7], $0x2FFFF;
	_ =	strace $0x9FFFFFFF  }
0xc2: {  	(tm) =	ssettm $0x7FFFFFFF  }
0xc3: {  	_ =	shalt  }
tec
execute0_lowered:
.L_overlay_start_1:
0x0: {  	(tag) =	ssettag $0x1  }
0x1: {  	s0 =	rddreg [dreg:$0x0]  }
0x2: {  	s1 =	rddreg [dreg:$0x1];
	s2 =	srdreg.scid  }
0x3: {  	s11 =	stileid.u32;
	s17 =	simm.s32 $0x2710;
	s18 =	simm.s32 $0x4E20  }
0x4: {  	s19 =	simm.s32 $0x7530;
	s20 =	simm.s32 $0x88C0;
	s21 =	simm.s32 $0x9C50  }
0x5: {  	s22 =	simm.s32 $0x1;
	s23 =	simm.s32 $0xD890;
	s24 =	simm.s32 $0x2  }
0x6: {  	s25 =	simm.s32 $0x0;
	s7 =	sand.u32 $0x1, s2;
	s2 =	simm.s32 $0x0  }
0x7: {  	s4 =	sadd.s32 $0x1400, s0;
	s5 =	sadd.s32 $0xE00, s0;
	s3 =	sshll.u32 s7, $0x4  }
0x8: {  	[smem:$0x7FF] =	sst s2;
	s9 =	smul.u32 $0x14000, s7;
	s7 =	ssub.s32 $0x2, s7  }
0x9: {  	s8 =	sor.u32 s11, s3;
	_ =	strace $0x80000047;
	s11 =	smul.u32 $0x1400, s11  }
0xa: {  	s3 =	sadd.s32 $0x1A00, s0;
	s31 =	sshrl.u32 s7, $0x1;
	s6 =	smul.u32 $0x271, s8  }
0xb: {  	s10 =	sshll.u32 s8, $0x1;
	s8 =	sshll.u32 s8, $0x3;
	s14 =	ssub.s32 s7, s31  }
0xc: {  	s10 =	sadd.s32 s10, s0;
	s9 =	sadd.s32 s11, s9;
	s13 =	sadd.s32 s8, s0  }
.Ltmp0:
0xd: {  	s12 =	sadd.s32 s6, s0;
	s6 =	sadd.s32 $0xC00, s0;
	(pc) =	sbr.rel .LBB2_1-.Ltmp0, $4  }
0xe: {  	s16 =	sshrl.u32 s9, $0x3;
	s9 =	sadd.s32 $0xC200, s10;
	s10 =	sadd.s32 $0xC000, s13  }
0xf: {  	s11 =	sadd.s32 $0xC400, s13;
	s0 =	sadd.s32 s16, s0;
	s7 =	sadd.s32 $0x7000, s12  }
0x10: {  	s8 =	sadd.s32 $0x2000, s12;
	s12 =	sadd.s32 $0xC600, s13;
	s13 =	smax.u32 s14, $0x1  }
0x11: {  	vm0 =	vmmov $0xff;
	vm1 =	vmmov $0x1;
	s16 =	sadd.s32 s16, s1;
	s14 =	sadd.s32 $0x11800, s0;
	s15 =	sadd.s32 $0xC800, s0  }
.LBB2_6:
0x12: {  	[sflag:s24] =	ssyncadd.s32 $0xFFFFFE00  }
.LBB2_7:
0x13: {  	s25 =	sadd.s32 $0x1, s25  }
0x14: {  	p0 =	sne.s32 s25, s13  }
.Ltmp1:
0x15: {  	_ = 	snop;
	(pc) =	sbr.rel @!p0 .LBB2_8-.Ltmp1, $1  }
0x16: {  	_ =	sdelay $0x3  }
.LBB2_1:
0x17: {  	[tilespmem:s2], [sflag:$0x1] =	stream.linear.gather [hbm4b:s3+s2], $0x2710, $0x38;
	[tilespmem:$0xD8A0] =	vst v63  }
0x18: {  	_ = 	snop  }
0x19: {  	[tilespmem:s17], [sflag:$0x1] =	stream.linear.gather [hbm4b:s4+s2], $0x2710, $0x38;
	[tilespmem:$0xD8A0] =	vst v63  }
0x1a: {  	_ = 	snop  }
0x1b: {  	[tilespmem:s18], [sflag:$0x1] =	stream.linear.gather [hbm4b:s5+s2], $0x2710, $0x38;
	[tilespmem:$0xD8A0] =	vst v63  }
0x1c: {  	_ = 	snop  }
0x1d: {  	[tilespmem:s19], [sflag:$0x1] =	stream.linear.gather [hbm4b:s7+s2], $0x1388, $0x38;
	[tilespmem:$0xD8A0] =	vst v63  }
0x1e: {  	_ = 	snop  }
0x1f: {  	[tilespmem:s20], [sflag:$0x1] =	stream.linear.gather [hbm4b:s8+s2], $0x1388, $0x38;
	[tilespmem:$0xD8A0] =	vst v63  }
0x20: {  	_ = 	snop  }
0x21: {  	[tilespmem:s21], [sflag:$0x1] =	stream.linear.gather [hbm4b:s6+s2], $0x40, $0x38;
	[tilespmem:$0xD8A0] =	vst v63  }
0x22: {  	_ =	swait.ge [sflag:s22], $0x2710  }
0x23: {  	[sflag:s22] =	ssyncset.done $0x0  }
0x24: {  	[sflag:s22] =	ssyncadd.s32 $0xFFFFD8F0  }
0x25: {  	_ =	swait.ge [sflag:s22], $0x2710  }
0x26: {  	[sflag:s22] =	ssyncset.done $0x0  }
0x27: {  	[sflag:s22] =	ssyncadd.s32 $0xFFFFD8F0  }
0x28: {  	_ =	swait.ge [sflag:s22], $0x2710  }
0x29: {  	[sflag:s22] =	ssyncset.done $0x0  }
0x2a: {  	[sflag:s22] =	ssyncadd.s32 $0xFFFFD8F0  }
0x2b: {  	_ =	swait.ge [sflag:s22], $0x1388  }
0x2c: {  	[sflag:s22] =	ssyncset.done $0x0  }
0x2d: {  	[sflag:s22] =	ssyncadd.s32 $0xFFFFEC78  }
0x2e: {  	_ =	swait.ge [sflag:s22], $0x1388  }
0x2f: {  	[sflag:s22] =	ssyncset.done $0x0  }
0x30: {  	[sflag:s22] =	ssyncadd.s32 $0xFFFFEC78  }
0x31: {  	_ =	swait.ge [sflag:s22], $0x40  }
0x32: {  	[sflag:s22] =	ssyncset.done $0x0  }
0x33: {  	[sflag:s22] =	ssyncadd.s32 $0xFFFFFFC0  }
0x34: {  	v3 =	vld [tilespmem:$0x9C50]  }
0x35: {  	v4 =	vld [tilespmem:$0x9C60]  }
0x36: {  	v2 =	vld [tilespmem:$0x9C70]  }
0x37: {  	v0 =	vimm.s32 $0x0;
	s26 =	simm.s32 $0xFFFFFFFE;
	s28 =	simm.s32 $0x7540;
	s29 =	simm.s32 $0x88D0;
	v1 =	vld [tilespmem:$0x9C80]  }
.LBB2_2:
0x38: {  	v5 =	vld [tilespmem:s28+$0xFFFFFFF0];
	_ =	sdelay $0x1  }
0x39: {  	v6 =	vld [tilespmem:s29+$0xFFFFFFF0];
	_ =	sdelay $0x5  }
0x3a: {  	v7 =	vld.idx.msk [tilespmem:v5+s2+$0x0], $0xffff  }
0x3b: {  	v8 =	vld.idx.msk [tilespmem:v5+s17+$0x0], $0xffff  }
0x3c: {  	v9 =	vld.idx.msk [tilespmem:v6+s2+$0x0], $0xffff  }
0x3d: {  	v10 =	vld.idx.msk [tilespmem:v6+s17+$0x0], $0xffff  }
0x3e: {  	v11 =	vld.idx.msk [tilespmem:v5+s18+$0x0], $0xffff  }
0x3f: {  	v12 =	vld.idx.msk [tilespmem:v6+s18+$0x0], $0xffff;
	_ =	sdelay $0x3  }
0x40: {  	v7 =	vsub.f32 v7, v9;
	v8 =	vsub.f32 v8, v10  }
0x41: {  	v54 =	vsub.f32 v11, v12  }
0x42: {  	v7 =	vsub.f32 v7, v3;
	v8 =	vsub.f32 v8, v4;
	_ =	sdelay $0x1  }
0x43: {  	v9 =	vsub.f32 v54, v2;
	v7 =	vmul.f32 v7, v7;
	v8 =	vmul.f32 v8, v8;
	_ =	sdelay $0x1  }
0x44: {  	v55 =	vmul.f32 v9, v9;
	v7 =	vadd.f32 v8, v7;
	_ =	sdelay $0x1  }
0x45: {  	v7 =	vadd.f32 v55, v7;
	_ =	sdelay $0x1  }
0x46: {  	v7 =	vmul.f32 v7, v1;
	_ =	sdelay $0x1  }
0x47: {  	vm2 =	vge.f32 v7, $-1.040000000e+02  }
0x48: {  	v56 =	vmpcnt.ones.xlane vm2;
	_ =	sdelay $0x1  }
0x49: {  	(v2sf) =	vpush v56, $0x0;
	_ =	sdelay $0xe  }
0x4a: {  	s0 =	spop (v2sf)  }
0x4b: {  	p0 =	slt.s32 s0, $0x1  }
0x4c: {  	vm2 =	vge.f32 @!p0 v7, $-1.040000000e+02;
	v9 =	vimm.s32 @!p0 $0x0  }
0x4d: {  	v9 =	vsel @!p0 vm2, $0x1, v9  }
0x4e: {  	(xrf0) =	vadd.scan.msk.s32 @!p0 $0xffff, v9;
	_ =	sdelay $0x1  }
0x4f: {  	v7 =	vmul.f32 @!p0 $1.442695020e+00, v7;
	_ =	sdelay $0x2  }
0x50: {  	(erf) = vpow2.f32 @!p0 v7  }
0x51: {  	v7, _, _ =	vpop @!p0 (xrf0)  }
0x52: {  	v7 =	vadd.s32 @!p0 v7, v0  }
0x53: {  	v7 =	vadd.s32 @!p0 $0xFFFFFFFF, v7;
	_ =	sdelay $0x3  }
0x54: {  	s0 =	simm.s32 @!p0 $0x9C90  }
0x55: {  	[tilespmem:v7+s0+$0x0] =	vst.idx.msk @!p0 vm2, v5;
	s0 =	simm.s32 @!p0 $0xB090  }
0x56: {  	v5 =	vpop @!p0 (erf);
	[tilespmem:v7+s0+$0x0] =	vst.idx.msk @!p0 vm2, v6;
	s0 =	simm.s32 @!p0 $0xC490  }
0x57: {  	[tilespmem:v7+s0+$0x0] =	vst.idx.msk @!p0 vm2, v5  }
0x58: {  	v5 =	vld [tilespmem:s28+$0x0];
	_ =	sdelay $0x1  }
0x59: {  	v6 =	vld [tilespmem:s29+$0x0];
	_ =	sdelay $0x5  }
0x5a: {  	v7 =	vld.idx.msk [tilespmem:v5+s2+$0x0], $0xffff  }
0x5b: {  	v57 =	vld.idx.msk [tilespmem:v5+s17+$0x0], $0xffff  }
0x5c: {  	v58 =	vld.idx.msk [tilespmem:v6+s2+$0x0], $0xffff  }
0x5d: {  	v59 =	vld.idx.msk [tilespmem:v6+s17+$0x0], $0xffff  }
0x5e: {  	v60 =	vld.idx.msk [tilespmem:v5+s18+$0x0], $0xffff  }
0x5f: {  	v13 =	vld.idx.msk [tilespmem:v6+s18+$0x0], $0xffff;
	_ =	sdelay $0x3  }
0x60: {  	v7 =	vsub.f32 v7, v58;
	v9 =	vsub.f32 v57, v59  }
0x61: {  	v61 =	vsub.f32 v60, v13  }
0x62: {  	v7 =	vsub.f32 v7, v3;
	v9 =	vsub.f32 v9, v4;
	_ =	sdelay $0x1  }
0x63: {  	v10 =	vsub.f32 v61, v2;
	v7 =	vmul.f32 v7, v7;
	v9 =	vmul.f32 v9, v9;
	_ =	sdelay $0x1  }
0x64: {  	v62 =	vmul.f32 v10, v10;
	v7 =	vadd.f32 v9, v7;
	_ =	sdelay $0x1  }
0x65: {  	v7 =	vadd.f32 v62, v7;
	_ =	sdelay $0x1  }
0x66: {  	v7 =	vmul.f32 v7, v1;
	_ =	sdelay $0x1  }
0x67: {  	vm2 =	vge.f32 v7, $-1.040000000e+02  }
0x68: {  	v63 =	vmpcnt.ones.xlane vm2;
	_ =	sdelay $0x1  }
0x69: {  	(v2sf) =	vpush v63, $0x0;
	_ =	sdelay $0xe  }
0x6a: {  	s31 =	spop (v2sf)  }
0x6b: {  	p0 =	slt.s32 s31, $0x1  }
0x6c: {  	vm2 =	vge.f32 @!p0 v7, $-1.040000000e+02;
	v10 =	vimm.s32 @!p0 $0x0  }
0x6d: {  	v10 =	vsel @!p0 vm2, $0x1, v10  }
0x6e: {  	(xrf0) =	vadd.scan.msk.s32 @!p0 $0xffff, v10;
	_ =	sdelay $0x1  }
0x6f: {  	v7 =	vmul.f32 @!p0 $1.442695020e+00, v7;
	_ =	sdelay $0x2  }
0x70: {  	(erf) = vpow2.f32 @!p0 v7  }
0x71: {  	v0 =	vadd.s32 v0, v56;
	v7, _, _ =	vpop @!p0 (xrf0)  }
0x72: {  	v7 =	vadd.s32 @!p0 v7, v0  }
0x73: {  	v7 =	vadd.s32 @!p0 $0xFFFFFFFF, v7  }
0x74: {  	s26 =	sadd.s32 $0x2, s26  }
0x75: {  	p1 =	slt.u32 s26, $0x136  }
.Ltmp2:
0x76: {  	_ = 	snop;
	(pc) =	sbr.rel @p1 .LBB2_2-.Ltmp2, $4  }
0x77: {  	s0 =	simm.s32 @!p0 $0x9C90  }
0x78: {  	[tilespmem:v7+s0+$0x0] =	vst.idx.msk @!p0 vm2, v5;
	s0 =	simm.s32 @!p0 $0xB090  }
0x79: {  	v5 =	vpop @!p0 (erf);
	[tilespmem:v7+s0+$0x0] =	vst.idx.msk @!p0 vm2, v6;
	s0 =	simm.s32 @!p0 $0xC490  }
0x7a: {  	s28 =	sadd.s32 $0x20, s28;
	s29 =	sadd.s32 $0x20, s29;
	v0 =	vadd.s32 v0, v63;
	[tilespmem:v7+s0+$0x0] =	vst.idx.msk @!p0 vm2, v5  }
0x7b: {  	v5 =	vld [tilespmem:$0x88B0];
	_ =	sdelay $0x1  }
0x7c: {  	v6 =	vld [tilespmem:$0x9C40];
	_ =	sdelay $0x2  }
0x7d: {  	v5 =	vnsel vm0, $0x0, v5;
	_ =	sdelay $0x1  }
0x7e: {  	v6 =	vnsel vm0, $0x0, v6;
	_ =	sdelay $0x2  }
0x7f: {  	v7 =	vld.idx.msk [tilespmem:v5+s2+$0x0], $0xffff  }
0x80: {  	v8 =	vld.idx.msk [tilespmem:v5+s17+$0x0], $0xffff  }
0x81: {  	v9 =	vld.idx.msk [tilespmem:v6+s2+$0x0], $0xffff  }
0x82: {  	v10 =	vld.idx.msk [tilespmem:v6+s17+$0x0], $0xffff  }
0x83: {  	v11 =	vld.idx.msk [tilespmem:v5+s18+$0x0], $0xffff  }
0x84: {  	v12 =	vld.idx.msk [tilespmem:v6+s18+$0x0], $0xffff;
	_ =	sdelay $0x3  }
0x85: {  	v7 =	vsub.f32 v7, v9;
	v8 =	vsub.f32 v8, v10  }
0x86: {  	v61 =	vsub.f32 v11, v12  }
0x87: {  	v3 =	vsub.f32 v7, v3;
	v4 =	vsub.f32 v8, v4;
	_ =	sdelay $0x1  }
0x88: {  	v2 =	vsub.f32 v61, v2;
	v3 =	vmul.f32 v3, v3;
	v4 =	vmul.f32 v4, v4;
	_ =	sdelay $0x1  }
0x89: {  	v2 =	vmul.f32 v2, v2;
	v3 =	vadd.f32 v4, v3;
	_ =	sdelay $0x1  }
0x8a: {  	v2 =	vadd.f32 v2, v3;
	_ =	sdelay $0x1  }
0x8b: {  	v1 =	vmul.f32 v2, v1;
	_ =	sdelay $0x1  }
0x8c: {  	vm2 =	vge.f32 v1, $-1.040000000e+02  }
0x8d: {  	vm2 =	vmand vm2, vm0  }
0x8e: {  	v62 =	vmpcnt.ones.xlane vm2;
	_ =	sdelay $0x1  }
0x8f: {  	(v2sf) =	vpush v62, $0x0;
	_ =	sdelay $0xe  }
0x90: {  	s0 =	spop (v2sf)  }
0x91: {  	v2 =	vadd.s32 v0, v62;
	p0 =	slt.s32 s0, $0x1  }
0x92: {  	(v2sf) =	vpush v2, $0x0;
	v3 =	vimm.s32 @!p0 $0x0  }
0x93: {  	v3 =	vsel @!p0 vm2, $0x1, v3  }
0x94: {  	(xrf0) =	vadd.scan.msk.s32 @!p0 $0xffff, v3;
	_ =	sdelay $0x1  }
0x95: {  	v1 =	vmul.f32 @!p0 $1.442695020e+00, v1;
	_ =	sdelay $0x2  }
0x96: {  	(erf) = vpow2.f32 @!p0 v1  }
0x97: {  	v1, _, _ =	vpop @!p0 (xrf0)  }
0x98: {  	v0 =	vadd.s32 @!p0 v1, v0  }
0x99: {  	v0 =	vadd.s32 @!p0 $0xFFFFFFFF, v0;
	_ =	sdelay $0x3  }
0x9a: {  	s0 =	simm.s32 @!p0 $0x9C90  }
0x9b: {  	s1 =	spop (v2sf);
	[tilespmem:v0+s0+$0x0] =	vst.idx.msk @!p0 vm2, v5;
	s0 =	simm.s32 @!p0 $0xB090  }
0x9c: {  	v1 =	vpop @!p0 (erf);
	s1 =	sadd.s32 $0xFFFFFFC0, s1;
	[tilespmem:v0+s0+$0x0] =	vst.idx.msk @!p0 vm2, v6;
	s0 =	simm.s32 @!p0 $0xC490  }
0x9d: {  	v63 =	vnsel vm1, $0x0, v2;
	[tilespmem:v0+s0+$0x0] =	vst.idx.msk @!p0 vm2, v1;
	p0 =	sgt.s32 s1, $0x0  }
0x9e: {  	[tilespmem:$0xD890] =	vst v63;
	s1 =	simm.s32 @!p0 $0x0  }
0x9f: {  	[hbm4b:s9+s2] =	stream.linear.scatter [tilespmem:s23], [sflag:$0x2], $0x10, $0x38;
	[tilespmem:$0xD8A0] =	vst v63  }
0xa0: {  	s26 =	simm.s32 $0x9C90;
	s1 =	sadd.s32 $0x1FF, s1  }
0xa1: {  	s28 =	simm.s32 $0xB090;
	_ =	swait.ge [sflag:s24], $0x10;
	s29 =	sand.u32 $0x1FF, s1  }
0xa2: {  	s31 =	sshra.s32 s1, $0x1F;
	p1 =	slt.s32 s1, $0x0;
	[sflag:s24] =	ssyncset.done $0x0  }
0xa3: {  	p6 =	sne.s32 s29, $0x0;
	s29 =	sshrl.u32 s31, $0x17;
	[sflag:s24] =	ssyncadd.s32 $0xFFFFFFF0  }
0xa4: {  	[hbm4b:s10+s2] =	stream.linear.scatter [tilespmem:s26], [sflag:$0x2], $0x40, $0x38;
	[tilespmem:$0xD8A0] =	vst v63  }
0xa5: {  	p0 =	por !p1, !p6;
	s1 =	sadd.s32 s29, s1;
	_ =	swait.ge [sflag:s24], $0x40  }
0xa6: {  	s29 =	simm.s32 $0x1;
	p0 =	por !p0, !p0;
	[sflag:s24] =	ssyncset.done $0x0  }
0xa7: {  	s1 =	sshra.s32 s1, $0x9;
	s29 =	simm.s32 @!p0 $0x0;
	[sflag:s24] =	ssyncadd.s32 $0xFFFFFFC0  }
0xa8: {  	[hbm4b:s11+s2] =	stream.linear.scatter [tilespmem:s28], [sflag:$0x2], $0x40, $0x38;
	[tilespmem:$0xD8A0] =	vst v63  }
0xa9: {  	s1 =	ssub.s32 s1, s29;
	_ =	swait.ge [sflag:s24], $0x40  }
0xaa: {  	p0 =	slt.s32 s1, $0x1;
	[sflag:s24] =	ssyncset.done $0x0  }
.Ltmp3:
0xab: {  	s0 =	simm.s32 $0xC490;
	[sflag:s24] =	ssyncadd.s32 $0xFFFFFFC0;
	(pc) =	sbr.rel @p0 .LBB2_7-.Ltmp3, $4  }
0xac: {  	[hbm4b:s12+s2] =	stream.linear.scatter [tilespmem:s0], [sflag:$0x2], $0x40, $0x38;
	[tilespmem:$0xD8A0] =	vst v63  }
0xad: {  	_ =	swait.ge [sflag:s24], $0x40  }
0xae: {  	[sflag:s24] =	ssyncset.done $0x0  }
0xaf: {  	[sflag:s24] =	ssyncadd.s32 $0xFFFFFFC0  }
0xb0: {  	[hbm4b:s16+s2] =	stream.linear.scatter [tilespmem:s26], [sflag:$0x2], $0x200, $0x38;
	[tilespmem:$0xD8A0] =	vst v63  }
0xb1: {  	_ =	swait.ge [sflag:s24], $0x200  }
0xb2: {  	[sflag:s24] =	ssyncset.done $0x0  }
0xb3: {  	[sflag:s24] =	ssyncadd.s32 $0xFFFFFE00  }
0xb4: {  	[hbm4b:s15+s2] =	stream.linear.scatter [tilespmem:s28], [sflag:$0x2], $0x200, $0x38;
	[tilespmem:$0xD8A0] =	vst v63  }
0xb5: {  	p0 =	sne.s32 s1, $0x1;
	_ =	swait.ge [sflag:s24], $0x200  }
.Ltmp4:
0xb6: {  	[sflag:s24] =	ssyncset.done $0x0;
	(pc) =	sbr.rel @!p0 .LBB2_6-.Ltmp4, $4  }
0xb7: {  	s29 =	sadd.s32 $0xFFFFFFFF, s1;
	[sflag:s24] =	ssyncadd.s32 $0xFFFFFE00  }
0xb8: {  	[hbm4b:s14+s2] =	stream.linear.scatter [tilespmem:s0], [sflag:$0x2], $0x200, $0x38;
	[tilespmem:$0xD8A0] =	vst v63  }
0xb9: {  	s30 =	sadd.s32 $0x40, s15;
	s31 =	sadd.s32 $0x40, s16;
	_ =	swait.ge [sflag:s24], $0x200  }
0xba: {  	s1 =	sadd.s32 $0x40, s14;
	s0 =	sadd.s32 $0x200, s0;
	[sflag:s24] =	ssyncset.done $0x0  }
.LBB2_5:
0xbb: {  	[sflag:s24] =	ssyncadd.s32 $0xFFFFFE00;
	s26 =	sadd.s32 $0x200, s26;
	s28 =	sadd.s32 $0x200, s28  }
0xbc: {  	[hbm4b:s31+s2] =	stream.linear.scatter [tilespmem:s26], [sflag:$0x2], $0x200, $0x38;
	[tilespmem:$0xD8A0] =	vst v63  }
0xbd: {  	p0 =	sne.s32 s29, $0x1;
	s29 =	sadd.s32 $0xFFFFFFFF, s29;
	_ =	swait.ge [sflag:s24], $0x200  }
0xbe: {  	[sflag:s24] =	ssyncset.done $0x0  }
0xbf: {  	[sflag:s24] =	ssyncadd.s32 $0xFFFFFE00  }
0xc0: {  	[hbm4b:s30+s2] =	stream.linear.scatter [tilespmem:s28], [sflag:$0x2], $0x200, $0x38;
	[tilespmem:$0xD8A0] =	vst v63  }
0xc1: {  	_ =	swait.ge [sflag:s24], $0x200  }
.Ltmp5:
0xc2: {  	[sflag:s24] =	ssyncset.done $0x0;
	(pc) =	sbr.rel @p0 .LBB2_5-.Ltmp5, $4  }
0xc3: {  	[sflag:s24] =	ssyncadd.s32 $0xFFFFFE00  }
0xc4: {  	[hbm4b:s1+s2] =	stream.linear.scatter [tilespmem:s0], [sflag:$0x2], $0x200, $0x38;
	[tilespmem:$0xD8A0] =	vst v63  }
0xc5: {  	s31 =	sadd.s32 $0x40, s31;
	s30 =	sadd.s32 $0x40, s30;
	_ =	swait.ge [sflag:s24], $0x200  }
0xc6: {  	s0 =	sadd.s32 $0x200, s0;
	s1 =	sadd.s32 $0x40, s1;
	[sflag:s24] =	ssyncset.done $0x0  }
.Ltmp6:
0xc7: {  	_ = 	snop;
	(pc) =	sbr.rel .LBB2_6-.Ltmp6, $1  }
0xc8: {  	_ =	sdelay $0x3  }
.LBB2_8:
0xc9: {  	_ =	sfence.sel $0x180000  }
0xca: {  	[bflag:$0x0] =	sbarrier.arrive $0xFFFF  }
0xcb: {  	_ =	strace $0x90000047  }
0xcc: {  	s0 =	stileid.u32;
	[bflag:$0x2] =	sbarrier.arrive $0xFFFF  }
0xcd: {  	p0 =	sne.s32 s0, $0x0;
	s0 =	rddreg [dreg:$0x2]  }
0xce: {  	s0 =	sadd.s32 @!p0 $0x100000, s0  }
0xcf: {  	[sflag:s0] =	ssyncadd.tile.s32 @!p0 $0x1;
	_ =	shalt  }
.Lfunc_end2:
_tile_overlayer_lowered:
.L_overlay_start_2:
0xd0: {  	(tag) =	ssettag $0x2  }
0xd1: {  	s0 =	rddreg [dreg:$0x0];
	s2 =	stileid.u32  }
0xd2: {  	s1 =	rddreg [dreg:$0x1];
	p0 =	sne.s32 s2, $0x0  }
0xd3: {  	s3 =	rddreg [dreg:$0x2];
	[bflag:$0x3] =	sbarrier.arrive $0xFFFF;
	s2 =	simm.s32 @!p0 $0x1C02  }
0xd4: {  	[timem:s3], [sflag:s2] =	dma.local @!p0 [hbm:s0], s1  }
0xd5: {  	s0 =	simm.s32 @!p0 $0x2  }
0xd6: {  	_ =	swait.ge @!p0 [sflag:s0], s1  }
0xd7: {  	s1 =	ssub.s32 @!p0 $0x0, s1;
	[sflag:s0] =	ssyncset.done @!p0 $0x0  }
0xd8: {  	[sflag:s0] =	ssyncadd.s32 @!p0 s1  }
0xd9: {  	[bflag:$0x3] =	sbarrier.arrive $0xFFFF  }
0xda: {  	_ =	shalt  }

</sc_bundles>
